<compile_context>
chip_gen: v7x
topology: tpu7x:2x2x1
jax: 0.10.2.dev20260603
libtpu: 0.0.44.dev20260713+nightly
codegen_flags: <defaults>
</compile_context>

<pallas_src>
import functools

import jax
import jax.numpy as jnp
from jax import lax
from jax.experimental import pallas as pl
from jax.experimental.pallas import tpu as pltpu
from jax.experimental.pallas import tpu_sc as plsc

NC = 2
NS = 16
NW = NC * NS
CH = 2048
ROW = 128
ROWS = CH // ROW
SUB = ROW // 16


@functools.lru_cache(maxsize=None)
def _build(NQ: int, H: int, W: int):
    QPW = NQ // NW
    NCH = QPW // CH
    N8 = H * W // 8

    @functools.partial(
        pl.kernel,
        out_type=jax.ShapeDtypeStruct((NQ,), jnp.float32),
        mesh=plsc.VectorSubcoreMesh(core_axis_name="c", subcore_axis_name="s"),
        compiler_params=pltpu.CompilerParams(
            needs_layout_passes=False, use_tc_tiling_on_sc=False),
        scratch_types=[
            pltpu.VMEM((CH,), jnp.float32),
            pltpu.VMEM((CH,), jnp.float32),
            pltpu.VMEM((ROWS, ROW), jnp.int32),
            pltpu.VMEM((ROWS, ROW), jnp.int32),
            pltpu.VMEM((ROWS, ROW), jnp.int32),
            pltpu.VMEM((ROWS, ROW), jnp.int32),
            pltpu.VMEM((CH,), jnp.int32),
            pltpu.VMEM((CH,), jnp.float32),
            pltpu.VMEM((CH,), jnp.float32),
            pltpu.VMEM((CH, 8), jnp.float32),
            pltpu.VMEM((CH, 8), jnp.float32),
            pltpu.VMEM((CH, 8), jnp.float32),
            pltpu.VMEM((CH, 8), jnp.float32),
            pltpu.VMEM((CH,), jnp.float32),
            pltpu.VMEM((64,), jnp.float32),
            pltpu.SemaphoreType.DMA,
        ],
    )
    def body(xi_hbm, vals_hbm, params_hbm, out_hbm,
             xk_v, xz_v, i00_v, i00n_v, i10_v, i10n_v, col_v, fx_v, fy_v,
             p00_v, p00n_v, p10_v, p10n_v, out_v, params_v, sem):
        wid = lax.axis_index("s") * NC + lax.axis_index("c")
        pltpu.sync_copy(params_hbm, params_v)
        lane = lax.iota(jnp.int32, 16)
        ay = params_v[pl.ds(0, 16)]
        by = params_v[pl.ds(16, 16)]
        az = params_v[pl.ds(32, 16)]
        bz = params_v[pl.ds(48, 16)]

        def chunk_body(c, carry):
            qbase = wid * QPW + c * CH
            pltpu.sync_copy(xi_hbm.at[pl.ds(qbase, CH)], xk_v)
            pltpu.sync_copy(xi_hbm.at[pl.ds(NQ + qbase, CH)], xz_v)

            def row_body(j, carry2):
                for k in range(SUB):
                    off = j * ROW + k * 16
                    xk = xk_v[pl.ds(off, 16)]
                    xz = xz_v[pl.ds(off, 16)]
                    ix = jnp.clip(xz * az + bz, 0.0, W - 1.0)
                    iy = jnp.clip(xk * ay + by, 0.0, H - 1.0)
                    x0 = ix.astype(jnp.int32)
                    y0 = iy.astype(jnp.int32)
                    fx = ix - x0.astype(jnp.float32)
                    fy = iy - y0.astype(jnp.float32)
                    y1 = jnp.minimum(y0 + 1, H - 1)
                    i00 = y0 * W + x0
                    i10 = y1 * W + x0
                    r00 = i00 >> 3
                    r10 = i10 >> 3
                    i00_v[j, pl.ds(k * 16, 16)] = r00
                    i00n_v[j, pl.ds(k * 16, 16)] = jnp.minimum(r00 + 1, N8 - 1)
                    i10_v[j, pl.ds(k * 16, 16)] = r10
                    i10n_v[j, pl.ds(k * 16, 16)] = jnp.minimum(r10 + 1, N8 - 1)
                    col_v[pl.ds(off, 16)] = i00 & 7
                    fx_v[pl.ds(off, 16)] = fx
                    fy_v[pl.ds(off, 16)] = fy
                dst = pl.ds(j * ROW, ROW)
                pltpu.make_async_copy(
                    vals_hbm.at[i00_v.at[j]], p00_v.at[dst], sem).start()
                pltpu.make_async_copy(
                    vals_hbm.at[i00n_v.at[j]], p00n_v.at[dst], sem).start()
                pltpu.make_async_copy(
                    vals_hbm.at[i10_v.at[j]], p10_v.at[dst], sem).start()
                pltpu.make_async_copy(
                    vals_hbm.at[i10n_v.at[j]], p10n_v.at[dst], sem).start()
                return carry2

            lax.fori_loop(0, ROWS, row_body, 0)

            def wait_body(j, carry2):
                dst = pl.ds(j * ROW, ROW)
                pltpu.make_async_copy(
                    vals_hbm.at[i00_v.at[j]], p00_v.at[dst], sem).wait()
                pltpu.make_async_copy(
                    vals_hbm.at[i00n_v.at[j]], p00n_v.at[dst], sem).wait()
                pltpu.make_async_copy(
                    vals_hbm.at[i10_v.at[j]], p10_v.at[dst], sem).wait()
                pltpu.make_async_copy(
                    vals_hbm.at[i10n_v.at[j]], p10n_v.at[dst], sem).wait()
                return carry2

            lax.fori_loop(0, ROWS, wait_body, 0)

            def blend_body(j, carry2):
                for k in range(SUB):
                    off = j * ROW + k * 16
                    q16 = off + lane
                    cc = col_v[pl.ds(off, 16)]
                    cross = cc == 7
                    cn = (cc + 1) & 7
                    v00 = plsc.load_gather(p00_v, [q16, cc])
                    v01a = plsc.load_gather(p00_v, [q16, cn])
                    v01b = plsc.load_gather(p00n_v, [q16, cn])
                    v10 = plsc.load_gather(p10_v, [q16, cc])
                    v11a = plsc.load_gather(p10_v, [q16, cn])
                    v11b = plsc.load_gather(p10n_v, [q16, cn])
                    v01 = jnp.where(cross, v01b, v01a)
                    v11 = jnp.where(cross, v11b, v11a)
                    fx = fx_v[pl.ds(off, 16)]
                    fy = fy_v[pl.ds(off, 16)]
                    top = v00 + fx * (v01 - v00)
                    bot = v10 + fx * (v11 - v10)
                    out_v[pl.ds(off, 16)] = top + fy * (bot - top)
                return carry2

            lax.fori_loop(0, ROWS, blend_body, 0)
            pltpu.sync_copy(out_v, out_hbm.at[pl.ds(qbase, CH)])
            return carry

        lax.fori_loop(0, NCH, chunk_body, 0)

    return body


def kernel(xi, values, mins, ranges):
    NQ = xi.shape[0]
    H, W = values.shape
    xi_planes = xi.T.reshape(-1)
    vals8 = values.reshape(H * W // 8, 8)
    m = mins.astype(jnp.float32).reshape(-1)
    r = ranges.astype(jnp.float32).reshape(-1)
    ay = (H - 1.0) / r[0]
    az = (W - 1.0) / r[1]
    params = jnp.repeat(
        jnp.stack([ay, -m[0] * ay, az, -m[1] * az]),
        16,
    )
    out_flat = _build(NQ, H, W)(xi_planes, vals8, params)
    return out_flat.reshape(NQ, 1)

# --- scband reference (transcript-rebuilt; emitter-appended) ---
"""Pipeline reference for scband-regular-grid-interpolator-30391188586551 (READ-ONLY COPY).

The authoritative reference and input builder live on the scoring server;
editing this copy changes nothing except your own understanding.
"""

import jax, jax.numpy as jnp
import numpy as np

NK = 1024
NZ = 1024
NQ = 2097152


def setup_inputs(seed: int = 0) -> dict:
    key = jax.random.key(seed)
    k_vals, k_xi = jax.random.split(key, 2)
    k_grid = jnp.linspace(0.1, 100.0, NK, dtype=jnp.float32)
    z_grid = jnp.linspace(-3.0, 3.0, NZ, dtype=jnp.float32)
    values = jax.random.normal(k_vals, (NK, NZ), dtype=jnp.float32)
    mins = jnp.stack([k_grid[0], z_grid[0]])
    ranges = jnp.stack([k_grid[-1] - k_grid[0], z_grid[-1] - z_grid[0]])
    # xi: fill=rand scaled into the grid domain so queries are in-range
    u = jax.random.uniform(k_xi, (NQ, 2), dtype=jnp.float32)
    xi = mins + u * ranges
    return {"xi": xi, "values": values, "mins": mins, "ranges": ranges}


def reference(xi, values, mins, ranges):
    # norm_xi = 2*(xi - mins)/ranges - 1 ; grid = norm_xi.flip(-1)
    original_shape = xi.shape[:-1]
    norm = 2.0 * (xi - mins) / ranges - 1.0
    # after flip(-1): grid x (width dim, size NZ) = norm[...,1]; grid y (height dim, size NK) = norm[...,0]
    gx = norm[..., 1].reshape(-1)
    gy = norm[..., 0].reshape(-1)
    H, W = values.shape
    # align_corners=True mapping; padding_mode='border' == clamp (equivalent for bilinear)
    ix = jnp.clip((gx + 1.0) * 0.5 * (W - 1), 0.0, W - 1.0)
    iy = jnp.clip((gy + 1.0) * 0.5 * (H - 1), 0.0, H - 1.0)
    x0 = jnp.floor(ix).astype(jnp.int32)
    y0 = jnp.floor(iy).astype(jnp.int32)
    x1 = jnp.minimum(x0 + 1, W - 1)
    y1 = jnp.minimum(y0 + 1, H - 1)
    fx = ix - x0.astype(jnp.float32)
    fy = iy - y0.astype(jnp.float32)
    v00 = values[y0, x0]
    v01 = values[y0, x1]
    v10 = values[y1, x0]
    v11 = values[y1, x1]
    out = (v00 * (1.0 - fy) * (1.0 - fx)
           + v01 * (1.0 - fy) * fx
           + v10 * fy * (1.0 - fx)
           + v11 * fy * fx)
    return out.reshape(*original_shape, 1)

if __name__ == "__main__":
    import jax
    _d = setup_inputs()
    print(jax.jit(kernel)(*tuple(_d.values())))

</pallas_src>

<mosaic_0001>
#map = affine_map<(d0, d1) -> (0)>
#map1 = affine_map<(d0, d1) -> (0, 0)>
module attributes {stable_mosaic.version = 14 : i64} {
  func.func @body(%arg0: i32, %arg1: i32, %arg2: memref<4194304xf32, #tpu.memory_space<hbm>>, %arg3: memref<131072x8xf32, #tpu.memory_space<hbm>>, %arg4: memref<64xf32, #tpu.memory_space<hbm>>, %arg5: memref<2097152xf32, #tpu.memory_space<hbm>>, %arg6: memref<2048xf32, #tpu.memory_space<vmem>>, %arg7: memref<2048xf32, #tpu.memory_space<vmem>>, %arg8: memref<16x128xi32, #tpu.memory_space<vmem>>, %arg9: memref<16x128xi32, #tpu.memory_space<vmem>>, %arg10: memref<16x128xi32, #tpu.memory_space<vmem>>, %arg11: memref<16x128xi32, #tpu.memory_space<vmem>>, %arg12: memref<2048xi32, #tpu.memory_space<vmem>>, %arg13: memref<2048xf32, #tpu.memory_space<vmem>>, %arg14: memref<2048xf32, #tpu.memory_space<vmem>>, %arg15: memref<2048x8xf32, #tpu.memory_space<vmem>>, %arg16: memref<2048x8xf32, #tpu.memory_space<vmem>>, %arg17: memref<2048x8xf32, #tpu.memory_space<vmem>>, %arg18: memref<2048x8xf32, #tpu.memory_space<vmem>>, %arg19: memref<2048xf32, #tpu.memory_space<vmem>>, %arg20: memref<64xf32, #tpu.memory_space<vmem>>, %arg21: memref<!tpu.dma_semaphore, #tpu.memory_space<semaphore_mem>>) attributes {dimension_semantics = [#tpu.dimension_semantics<core_parallel>, #tpu.dimension_semantics<subcore_parallel>], iteration_bounds = array<i64: 2, 16>, scalar_prefetch = 0 : i64, scratch_operands = 16 : i64, tpu.core_type = #tpu.core_type<sc_vector_subcore>, window_params = [{transform_indices = #map}, {transform_indices = #map1}, {transform_indices = #map}, {transform_indices = #map}]} {
    %mul3A = arith.constant 2 : i32
    %mul3A_0 = arith.muli %arg1, %mul3A : i32
    %add3A = arith.addi %mul3A_0, %arg0 : i32
    "tpu.region"() ({
      %run_scoped3A = tpu.sem_alloc : memref<!tpu.dma_semaphore, #tpu.memory_space<semaphore_mem>>
      tpu.enqueue_dma source(%arg4 : memref<64xf32, #tpu.memory_space<hbm>>) target(%arg20 : memref<64xf32, #tpu.memory_space<vmem>>) target_semaphore(%run_scoped3A : memref<!tpu.dma_semaphore, #tpu.memory_space<semaphore_mem>>)
      tpu.wait_dma2 semaphore(%run_scoped3A : memref<!tpu.dma_semaphore, #tpu.memory_space<semaphore_mem>>) src(%arg4 : memref<64xf32, #tpu.memory_space<hbm>>) dst(%arg20 : memref<64xf32, #tpu.memory_space<vmem>>)
      tpu.yield
    }) : () -> ()
    %iota3A = tpu.iota {dimensions = array<i32: 0>} : vector<16xi32>
    %get3A = arith.constant 0 : index
    %get3A_1 = tpu.vector_load %arg20[%get3A] {strides = array<i32>} : memref<64xf32, #tpu.memory_space<vmem>>, vector<16xf32>,
    %get3A_2 = arith.constant 16 : index
    %get3A_3 = tpu.vector_load %arg20[%get3A_2] {strides = array<i32>} : memref<64xf32, #tpu.memory_space<vmem>>, vector<16xf32>,
    %get3A_4 = arith.constant 32 : index
    %get3A_5 = tpu.vector_load %arg20[%get3A_4] {strides = array<i32>} : memref<64xf32, #tpu.memory_space<vmem>>, vector<16xf32>,
    %get3A_6 = arith.constant 48 : index
    %get3A_7 = tpu.vector_load %arg20[%get3A_6] {strides = array<i32>} : memref<64xf32, #tpu.memory_space<vmem>>, vector<16xf32>,
    %scan3A = arith.constant 0 : i32
    %scan3A_8 = arith.constant 0 : i32
    %scan3A_9 = arith.constant 32 : i32
    %scan3A_10 = arith.addi %scan3A_8, %scan3A_9 : i32
    %scan3A_11 = arith.constant 1 : i32
    scf.for %scan3A_13 = %scan3A_8 to %scan3A_10 step %scan3A_11  : i32 {
      %mul3A_14 = arith.constant 65536 : i32
      %mul3A_15 = arith.muli %add3A, %mul3A_14 : i32
      %mul3A_16 = arith.constant 2048 : i32
      %mul3A_17 = arith.muli %scan3A_13, %mul3A_16 : i32
      %add3A_18 = arith.addi %mul3A_15, %mul3A_17 : i32
      "tpu.region"() ({
        %run_scoped3A = tpu.sem_alloc : memref<!tpu.dma_semaphore, #tpu.memory_space<semaphore_mem>>
        %dma_start3A = tpu.memref_slice %arg2[%add3A_18] : memref<4194304xf32, #tpu.memory_space<hbm>> -> memref<2048xf32, #tpu.memory_space<hbm>>
        %dma_start3A_39 = tpu.memref_slice %arg2[%add3A_18] : memref<4194304xf32, #tpu.memory_space<hbm>> -> memref<2048xf32, #tpu.memory_space<hbm>>
        tpu.enqueue_dma source(%dma_start3A_39 : memref<2048xf32, #tpu.memory_space<hbm>>) target(%arg6 : memref<2048xf32, #tpu.memory_space<vmem>>) target_semaphore(%run_scoped3A : memref<!tpu.dma_semaphore, #tpu.memory_space<semaphore_mem>>)
        %dma_wait3A = tpu.memref_slice %arg2[%add3A_18] : memref<4194304xf32, #tpu.memory_space<hbm>> -> memref<2048xf32, #tpu.memory_space<hbm>>
        %dma_wait3A_40 = tpu.memref_slice %arg2[%add3A_18] : memref<4194304xf32, #tpu.memory_space<hbm>> -> memref<2048xf32, #tpu.memory_space<hbm>>
        tpu.wait_dma2 semaphore(%run_scoped3A : memref<!tpu.dma_semaphore, #tpu.memory_space<semaphore_mem>>) src(%dma_wait3A_40 : memref<2048xf32, #tpu.memory_space<hbm>>) dst(%arg6 : memref<2048xf32, #tpu.memory_space<vmem>>)
        tpu.yield
      }) : () -> ()
      %add3A_19 = arith.constant 2097152 : i32
      %add3A_20 = arith.addi %add3A_19, %add3A_18 : i32
      "tpu.region"() ({
        %run_scoped3A = tpu.sem_alloc : memref<!tpu.dma_semaphore, #tpu.memory_space<semaphore_mem>>
        %dma_start3A = tpu.memref_slice %arg2[%add3A_20] : memref<4194304xf32, #tpu.memory_space<hbm>> -> memref<2048xf32, #tpu.memory_space<hbm>>
        %dma_start3A_39 = tpu.memref_slice %arg2[%add3A_20] : memref<4194304xf32, #tpu.memory_space<hbm>> -> memref<2048xf32, #tpu.memory_space<hbm>>
        tpu.enqueue_dma source(%dma_start3A_39 : memref<2048xf32, #tpu.memory_space<hbm>>) target(%arg7 : memref<2048xf32, #tpu.memory_space<vmem>>) target_semaphore(%run_scoped3A : memref<!tpu.dma_semaphore, #tpu.memory_space<semaphore_mem>>)
        %dma_wait3A = tpu.memref_slice %arg2[%add3A_20] : memref<4194304xf32, #tpu.memory_space<hbm>> -> memref<2048xf32, #tpu.memory_space<hbm>>
        %dma_wait3A_40 = tpu.memref_slice %arg2[%add3A_20] : memref<4194304xf32, #tpu.memory_space<hbm>> -> memref<2048xf32, #tpu.memory_space<hbm>>
        tpu.wait_dma2 semaphore(%run_scoped3A : memref<!tpu.dma_semaphore, #tpu.memory_space<semaphore_mem>>) src(%dma_wait3A_40 : memref<2048xf32, #tpu.memory_space<hbm>>) dst(%arg7 : memref<2048xf32, #tpu.memory_space<vmem>>)
        tpu.yield
      }) : () -> ()
      %scan3A_21 = arith.constant 0 : i32
      %scan3A_22 = arith.constant 0 : i32
      %scan3A_23 = arith.constant 16 : i32
      %scan3A_24 = arith.addi %scan3A_22, %scan3A_23 : i32
      %scan3A_25 = arith.constant 1 : i32
      scf.for %scan3A_39 = %scan3A_22 to %scan3A_24 step %scan3A_25  : i32 {
        %mul3A_40 = arith.constant 128 : i32
        %mul3A_41 = arith.muli %scan3A_39, %mul3A_40 : i32
        %add3A_42 = arith.constant 0 : i32
        %add3A_43 = arith.addi %mul3A_41, %add3A_42 : i32
        %get3A_44 = arith.index_cast %add3A_43 : i32 to index
        %get3A_45 = tpu.vector_load %arg6[%get3A_44] {strides = array<i32>} : memref<2048xf32, #tpu.memory_space<vmem>>, vector<16xf32>,
        %get3A_46 = arith.index_cast %add3A_43 : i32 to index
        %get3A_47 = tpu.vector_load %arg7[%get3A_46] {strides = array<i32>} : memref<2048xf32, #tpu.memory_space<vmem>>, vector<16xf32>,
        %mul3A_48 = arith.mulf %get3A_47, %get3A_5 : vector<16xf32>
        %add3A_49 = arith.addf %mul3A_48, %get3A_7 : vector<16xf32>
        %jit3A = arith.constant 0.000000e+00 : f32
        %jit3A_50 = arith.constant 1.023000e+03 : f32
        %max3A = vector.broadcast %jit3A : f32 to vector<16xf32>
        %max3A_51 = arith.maximumf %max3A, %add3A_49 : vector<16xf32>
        %min3A = vector.broadcast %jit3A_50 : f32 to vector<16xf32>
        %min3A_52 = arith.minimumf %min3A, %max3A_51 : vector<16xf32>
        %mul3A_53 = arith.mulf %get3A_45, %get3A_1 : vector<16xf32>
        %add3A_54 = arith.addf %mul3A_53, %get3A_3 : vector<16xf32>
        %jit3A_55 = arith.constant 0.000000e+00 : f32
        %jit3A_56 = arith.constant 1.023000e+03 : f32
        %max3A_57 = vector.broadcast %jit3A_55 : f32 to vector<16xf32>
        %max3A_58 = arith.maximumf %max3A_57, %add3A_54 : vector<16xf32>
        %min3A_59 = vector.broadcast %jit3A_56 : f32 to vector<16xf32>
        %min3A_60 = arith.minimumf %min3A_59, %max3A_58 : vector<16xf32>
        %convert_element_type3A = arith.fptosi %min3A_52 : vector<16xf32> to vector<16xi32>
        %convert_element_type3A_61 = arith.fptosi %min3A_60 : vector<16xf32> to vector<16xi32>
        %convert_element_type3A_62 = arith.sitofp %convert_element_type3A : vector<16xi32> to vector<16xf32>
        %sub3A = arith.subf %min3A_52, %convert_element_type3A_62 : vector<16xf32>
        %convert_element_type3A_63 = arith.sitofp %convert_element_type3A_61 : vector<16xi32> to vector<16xf32>
        %sub3A_64 = arith.subf %min3A_60, %convert_element_type3A_63 : vector<16xf32>
        %add3A_65 = arith.constant 1 : i32
        %add3A_66 = vector.broadcast %add3A_65 : i32 to vector<16xi32>
        %add3A_67 = arith.addi %convert_element_type3A_61, %add3A_66 : vector<16xi32>
        %min3A_68 = arith.constant 1023 : i32
        %min3A_69 = vector.broadcast %min3A_68 : i32 to vector<16xi32>
        %min3A_70 = arith.minsi %add3A_67, %min3A_69 : vector<16xi32>
        %mul3A_71 = arith.constant 1024 : i32
        %mul3A_72 = vector.broadcast %mul3A_71 : i32 to vector<16xi32>
        %mul3A_73 = arith.muli %convert_element_type3A_61, %mul3A_72 : vector<16xi32>
        %add3A_74 = arith.addi %mul3A_73, %convert_element_type3A : vector<16xi32>
        %mul3A_75 = arith.constant 1024 : i32
        %mul3A_76 = vector.broadcast %mul3A_75 : i32 to vector<16xi32>
        %mul3A_77 = arith.muli %min3A_70, %mul3A_76 : vector<16xi32>
        %add3A_78 = arith.addi %mul3A_77, %convert_element_type3A : vector<16xi32>
        %shift_right_arithmetic3A = arith.constant 3 : i32
        %shift_right_arithmetic3A_79 = vector.broadcast %shift_right_arithmetic3A : i32 to vector<16xi32>
        %shift_right_arithmetic3A_80 = arith.shrsi %add3A_74, %shift_right_arithmetic3A_79 : vector<16xi32>
        %shift_right_arithmetic3A_81 = arith.constant 3 : i32
        %shift_right_arithmetic3A_82 = vector.broadcast %shift_right_arithmetic3A_81 : i32 to vector<16xi32>
        %shift_right_arithmetic3A_83 = arith.shrsi %add3A_78, %shift_right_arithmetic3A_82 : vector<16xi32>
        %swap3A = arith.index_cast %scan3A_39 : i32 to index
        %swap3A_84 = arith.constant 0 : index
        %swap3A_85 = tpu.vector_load %arg8[%swap3A, %swap3A_84] {strides = array<i32>} : memref<16x128xi32, #tpu.memory_space<vmem>>, vector<16xi32>,
        tpu.vector_store %arg8[%swap3A, %swap3A_84], %shift_right_arithmetic3A_80 {strides = array<i32>} : memref<16x128xi32, #tpu.memory_space<vmem>>, vector<16xi32>,
        %add3A_86 = arith.constant 1 : i32
        %add3A_87 = vector.broadcast %add3A_86 : i32 to vector<16xi32>
        %add3A_88 = arith.addi %shift_right_arithmetic3A_80, %add3A_87 : vector<16xi32>
        %min3A_89 = arith.constant 131071 : i32
        %min3A_90 = vector.broadcast %min3A_89 : i32 to vector<16xi32>
        %min3A_91 = arith.minsi %add3A_88, %min3A_90 : vector<16xi32>
        %swap3A_92 = arith.index_cast %scan3A_39 : i32 to index
        %swap3A_93 = arith.constant 0 : index
        %swap3A_94 = tpu.vector_load %arg9[%swap3A_92, %swap3A_93] {strides = array<i32>} : memref<16x128xi32, #tpu.memory_space<vmem>>, vector<16xi32>,
        tpu.vector_store %arg9[%swap3A_92, %swap3A_93], %min3A_91 {strides = array<i32>} : memref<16x128xi32, #tpu.memory_space<vmem>>, vector<16xi32>,
        %swap3A_95 = arith.index_cast %scan3A_39 : i32 to index
        %swap3A_96 = arith.constant 0 : index
        %swap3A_97 = tpu.vector_load %arg10[%swap3A_95, %swap3A_96] {strides = array<i32>} : memref<16x128xi32, #tpu.memory_space<vmem>>, vector<16xi32>,
        tpu.vector_store %arg10[%swap3A_95, %swap3A_96], %shift_right_arithmetic3A_83 {strides = array<i32>} : memref<16x128xi32, #tpu.memory_space<vmem>>, vector<16xi32>,
        %add3A_98 = arith.constant 1 : i32
        %add3A_99 = vector.broadcast %add3A_98 : i32 to vector<16xi32>
        %add3A_100 = arith.addi %shift_right_arithmetic3A_83, %add3A_99 : vector<16xi32>
        %min3A_101 = arith.constant 131071 : i32
        %min3A_102 = vector.broadcast %min3A_101 : i32 to vector<16xi32>
        %min3A_103 = arith.minsi %add3A_100, %min3A_102 : vector<16xi32>
        %swap3A_104 = arith.index_cast %scan3A_39 : i32 to index
        %swap3A_105 = arith.constant 0 : index
        %swap3A_106 = tpu.vector_load %arg11[%swap3A_104, %swap3A_105] {strides = array<i32>} : memref<16x128xi32, #tpu.memory_space<vmem>>, vector<16xi32>,
        tpu.vector_store %arg11[%swap3A_104, %swap3A_105], %min3A_103 {strides = array<i32>} : memref<16x128xi32, #tpu.memory_space<vmem>>, vector<16xi32>,
        %and3A = arith.constant 7 : i32
        %and3A_107 = vector.broadcast %and3A : i32 to vector<16xi32>
        %and3A_108 = arith.andi %add3A_74, %and3A_107 : vector<16xi32>
        %swap3A_109 = arith.index_cast %add3A_43 : i32 to index
        %swap3A_110 = tpu.vector_load %arg12[%swap3A_109] {strides = array<i32>} : memref<2048xi32, #tpu.memory_space<vmem>>, vector<16xi32>,
        tpu.vector_store %arg12[%swap3A_109], %and3A_108 {strides = array<i32>} : memref<2048xi32, #tpu.memory_space<vmem>>, vector<16xi32>,
        %swap3A_111 = arith.index_cast %add3A_43 : i32 to index
        %swap3A_112 = tpu.vector_load %arg13[%swap3A_111] {strides = array<i32>} : memref<2048xf32, #tpu.memory_space<vmem>>, vector<16xf32>,
        tpu.vector_store %arg13[%swap3A_111], %sub3A {strides = array<i32>} : memref<2048xf32, #tpu.memory_space<vmem>>, vector<16xf32>,
        %swap3A_113 = arith.index_cast %add3A_43 : i32 to index
        %swap3A_114 = tpu.vector_load %arg14[%swap3A_113] {strides = array<i32>} : memref<2048xf32, #tpu.memory_space<vmem>>, vector<16xf32>,
        tpu.vector_store %arg14[%swap3A_113], %sub3A_64 {strides = array<i32>} : memref<2048xf32, #tpu.memory_space<vmem>>, vector<16xf32>,
        %mul3A_115 = arith.constant 128 : i32
        %mul3A_116 = arith.muli %scan3A_39, %mul3A_115 : i32
        %add3A_117 = arith.constant 16 : i32
        %add3A_118 = arith.addi %mul3A_116, %add3A_117 : i32
        %get3A_119 = arith.index_cast %add3A_118 : i32 to index
        %get3A_120 = tpu.vector_load %arg6[%get3A_119] {strides = array<i32>} : memref<2048xf32, #tpu.memory_space<vmem>>, vector<16xf32>,
        %get3A_121 = arith.index_cast %add3A_118 : i32 to index
        %get3A_122 = tpu.vector_load %arg7[%get3A_121] {strides = array<i32>} : memref<2048xf32, #tpu.memory_space<vmem>>, vector<16xf32>,
        %mul3A_123 = arith.mulf %get3A_122, %get3A_5 : vector<16xf32>
        %add3A_124 = arith.addf %mul3A_123, %get3A_7 : vector<16xf32>
        %jit3A_125 = arith.constant 0.000000e+00 : f32
        %jit3A_126 = arith.constant 1.023000e+03 : f32
        %max3A_127 = vector.broadcast %jit3A_125 : f32 to vector<16xf32>
        %max3A_128 = arith.maximumf %max3A_127, %add3A_124 : vector<16xf32>
        %min3A_129 = vector.broadcast %jit3A_126 : f32 to vector<16xf32>
        %min3A_130 = arith.minimumf %min3A_129, %max3A_128 : vector<16xf32>
        %mul3A_131 = arith.mulf %get3A_120, %get3A_1 : vector<16xf32>
        %add3A_132 = arith.addf %mul3A_131, %get3A_3 : vector<16xf32>
        %jit3A_133 = arith.constant 0.000000e+00 : f32
        %jit3A_134 = arith.constant 1.023000e+03 : f32
        %max3A_135 = vector.broadcast %jit3A_133 : f32 to vector<16xf32>
        %max3A_136 = arith.maximumf %max3A_135, %add3A_132 : vector<16xf32>
        %min3A_137 = vector.broadcast %jit3A_134 : f32 to vector<16xf32>
        %min3A_138 = arith.minimumf %min3A_137, %max3A_136 : vector<16xf32>
        %convert_element_type3A_139 = arith.fptosi %min3A_130 : vector<16xf32> to vector<16xi32>
        %convert_element_type3A_140 = arith.fptosi %min3A_138 : vector<16xf32> to vector<16xi32>
        %convert_element_type3A_141 = arith.sitofp %convert_element_type3A_139 : vector<16xi32> to vector<16xf32>
        %sub3A_142 = arith.subf %min3A_130, %convert_element_type3A_141 : vector<16xf32>
        %convert_element_type3A_143 = arith.sitofp %convert_element_type3A_140 : vector<16xi32> to vector<16xf32>
        %sub3A_144 = arith.subf %min3A_138, %convert_element_type3A_143 : vector<16xf32>
        %add3A_145 = arith.constant 1 : i32
        %add3A_146 = vector.broadcast %add3A_145 : i32 to vector<16xi32>
        %add3A_147 = arith.addi %convert_element_type3A_140, %add3A_146 : vector<16xi32>
        %min3A_148 = arith.constant 1023 : i32
        %min3A_149 = vector.broadcast %min3A_148 : i32 to vector<16xi32>
        %min3A_150 = arith.minsi %add3A_147, %min3A_149 : vector<16xi32>
        %mul3A_151 = arith.constant 1024 : i32
        %mul3A_152 = vector.broadcast %mul3A_151 : i32 to vector<16xi32>
        %mul3A_153 = arith.muli %convert_element_type3A_140, %mul3A_152 : vector<16xi32>
        %add3A_154 = arith.addi %mul3A_153, %convert_element_type3A_139 : vector<16xi32>
        %mul3A_155 = arith.constant 1024 : i32
        %mul3A_156 = vector.broadcast %mul3A_155 : i32 to vector<16xi32>
        %mul3A_157 = arith.muli %min3A_150, %mul3A_156 : vector<16xi32>
        %add3A_158 = arith.addi %mul3A_157, %convert_element_type3A_139 : vector<16xi32>
        %shift_right_arithmetic3A_159 = arith.constant 3 : i32
        %shift_right_arithmetic3A_160 = vector.broadcast %shift_right_arithmetic3A_159 : i32 to vector<16xi32>
        %shift_right_arithmetic3A_161 = arith.shrsi %add3A_154, %shift_right_arithmetic3A_160 : vector<16xi32>
        %shift_right_arithmetic3A_162 = arith.constant 3 : i32
        %shift_right_arithmetic3A_163 = vector.broadcast %shift_right_arithmetic3A_162 : i32 to vector<16xi32>
        %shift_right_arithmetic3A_164 = arith.shrsi %add3A_158, %shift_right_arithmetic3A_163 : vector<16xi32>
        %swap3A_165 = arith.index_cast %scan3A_39 : i32 to index
        %swap3A_166 = arith.constant 16 : index
        %swap3A_167 = tpu.vector_load %arg8[%swap3A_165, %swap3A_166] {strides = array<i32>} : memref<16x128xi32, #tpu.memory_space<vmem>>, vector<16xi32>,
        tpu.vector_store %arg8[%swap3A_165, %swap3A_166], %shift_right_arithmetic3A_161 {strides = array<i32>} : memref<16x128xi32, #tpu.memory_space<vmem>>, vector<16xi32>,
        %add3A_168 = arith.constant 1 : i32
        %add3A_169 = vector.broadcast %add3A_168 : i32 to vector<16xi32>
        %add3A_170 = arith.addi %shift_right_arithmetic3A_161, %add3A_169 : vector<16xi32>
        %min3A_171 = arith.constant 131071 : i32
        %min3A_172 = vector.broadcast %min3A_171 : i32 to vector<16xi32>
        %min3A_173 = arith.minsi %add3A_170, %min3A_172 : vector<16xi32>
        %swap3A_174 = arith.index_cast %scan3A_39 : i32 to index
        %swap3A_175 = arith.constant 16 : index
        %swap3A_176 = tpu.vector_load %arg9[%swap3A_174, %swap3A_175] {strides = array<i32>} : memref<16x128xi32, #tpu.memory_space<vmem>>, vector<16xi32>,
        tpu.vector_store %arg9[%swap3A_174, %swap3A_175], %min3A_173 {strides = array<i32>} : memref<16x128xi32, #tpu.memory_space<vmem>>, vector<16xi32>,
        %swap3A_177 = arith.index_cast %scan3A_39 : i32 to index
        %swap3A_178 = arith.constant 16 : index
        %swap3A_179 = tpu.vector_load %arg10[%swap3A_177, %swap3A_178] {strides = array<i32>} : memref<16x128xi32, #tpu.memory_space<vmem>>, vector<16xi32>,
        tpu.vector_store %arg10[%swap3A_177, %swap3A_178], %shift_right_arithmetic3A_164 {strides = array<i32>} : memref<16x128xi32, #tpu.memory_space<vmem>>, vector<16xi32>,
        %add3A_180 = arith.constant 1 : i32
        %add3A_181 = vector.broadcast %add3A_180 : i32 to vector<16xi32>
        %add3A_182 = arith.addi %shift_right_arithmetic3A_164, %add3A_181 : vector<16xi32>
        %min3A_183 = arith.constant 131071 : i32
        %min3A_184 = vector.broadcast %min3A_183 : i32 to vector<16xi32>
        %min3A_185 = arith.minsi %add3A_182, %min3A_184 : vector<16xi32>
        %swap3A_186 = arith.index_cast %scan3A_39 : i32 to index
        %swap3A_187 = arith.constant 16 : index
        %swap3A_188 = tpu.vector_load %arg11[%swap3A_186, %swap3A_187] {strides = array<i32>} : memref<16x128xi32, #tpu.memory_space<vmem>>, vector<16xi32>,
        tpu.vector_store %arg11[%swap3A_186, %swap3A_187], %min3A_185 {strides = array<i32>} : memref<16x128xi32, #tpu.memory_space<vmem>>, vector<16xi32>,
        %and3A_189 = arith.constant 7 : i32
        %and3A_190 = vector.broadcast %and3A_189 : i32 to vector<16xi32>
        %and3A_191 = arith.andi %add3A_154, %and3A_190 : vector<16xi32>
        %swap3A_192 = arith.index_cast %add3A_118 : i32 to index
        %swap3A_193 = tpu.vector_load %arg12[%swap3A_192] {strides = array<i32>} : memref<2048xi32, #tpu.memory_space<vmem>>, vector<16xi32>,
        tpu.vector_store %arg12[%swap3A_192], %and3A_191 {strides = array<i32>} : memref<2048xi32, #tpu.memory_space<vmem>>, vector<16xi32>,
        %swap3A_194 = arith.index_cast %add3A_118 : i32 to index
        %swap3A_195 = tpu.vector_load %arg13[%swap3A_194] {strides = array<i32>} : memref<2048xf32, #tpu.memory_space<vmem>>, vector<16xf32>,
        tpu.vector_store %arg13[%swap3A_194], %sub3A_142 {strides = array<i32>} : memref<2048xf32, #tpu.memory_space<vmem>>, vector<16xf32>,
        %swap3A_196 = arith.index_cast %add3A_118 : i32 to index
        %swap3A_197 = tpu.vector_load %arg14[%swap3A_196] {strides = array<i32>} : memref<2048xf32, #tpu.memory_space<vmem>>, vector<16xf32>,
        tpu.vector_store %arg14[%swap3A_196], %sub3A_144 {strides = array<i32>} : memref<2048xf32, #tpu.memory_space<vmem>>, vector<16xf32>,
        %mul3A_198 = arith.constant 128 : i32
        %mul3A_199 = arith.muli %scan3A_39, %mul3A_198 : i32
        %add3A_200 = arith.constant 32 : i32
        %add3A_201 = arith.addi %mul3A_199, %add3A_200 : i32
        %get3A_202 = arith.index_cast %add3A_201 : i32 to index
        %get3A_203 = tpu.vector_load %arg6[%get3A_202] {strides = array<i32>} : memref<2048xf32, #tpu.memory_space<vmem>>, vector<16xf32>,
        %get3A_204 = arith.index_cast %add3A_201 : i32 to index
        %get3A_205 = tpu.vector_load %arg7[%get3A_204] {strides = array<i32>} : memref<2048xf32, #tpu.memory_space<vmem>>, vector<16xf32>,
        %mul3A_206 = arith.mulf %get3A_205, %get3A_5 : vector<16xf32>
        %add3A_207 = arith.addf %mul3A_206, %get3A_7 : vector<16xf32>
        %jit3A_208 = arith.constant 0.000000e+00 : f32
        %jit3A_209 = arith.constant 1.023000e+03 : f32
        %max3A_210 = vector.broadcast %jit3A_208 : f32 to vector<16xf32>
        %max3A_211 = arith.maximumf %max3A_210, %add3A_207 : vector<16xf32>
        %min3A_212 = vector.broadcast %jit3A_209 : f32 to vector<16xf32>
        %min3A_213 = arith.minimumf %min3A_212, %max3A_211 : vector<16xf32>
        %mul3A_214 = arith.mulf %get3A_203, %get3A_1 : vector<16xf32>
        %add3A_215 = arith.addf %mul3A_214, %get3A_3 : vector<16xf32>
        %jit3A_216 = arith.constant 0.000000e+00 : f32
        %jit3A_217 = arith.constant 1.023000e+03 : f32
        %max3A_218 = vector.broadcast %jit3A_216 : f32 to vector<16xf32>
        %max3A_219 = arith.maximumf %max3A_218, %add3A_215 : vector<16xf32>
        %min3A_220 = vector.broadcast %jit3A_217 : f32 to vector<16xf32>
        %min3A_221 = arith.minimumf %min3A_220, %max3A_219 : vector<16xf32>
        %convert_element_type3A_222 = arith.fptosi %min3A_213 : vector<16xf32> to vector<16xi32>
        %convert_element_type3A_223 = arith.fptosi %min3A_221 : vector<16xf32> to vector<16xi32>
        %convert_element_type3A_224 = arith.sitofp %convert_element_type3A_222 : vector<16xi32> to vector<16xf32>
        %sub3A_225 = arith.subf %min3A_213, %convert_element_type3A_224 : vector<16xf32>
        %convert_element_type3A_226 = arith.sitofp %convert_element_type3A_223 : vector<16xi32> to vector<16xf32>
        %sub3A_227 = arith.subf %min3A_221, %convert_element_type3A_226 : vector<16xf32>
        %add3A_228 = arith.constant 1 : i32
        %add3A_229 = vector.broadcast %add3A_228 : i32 to vector<16xi32>
        %add3A_230 = arith.addi %convert_element_type3A_223, %add3A_229 : vector<16xi32>
        %min3A_231 = arith.constant 1023 : i32
        %min3A_232 = vector.broadcast %min3A_231 : i32 to vector<16xi32>
        %min3A_233 = arith.minsi %add3A_230, %min3A_232 : vector<16xi32>
        %mul3A_234 = arith.constant 1024 : i32
        %mul3A_235 = vector.broadcast %mul3A_234 : i32 to vector<16xi32>
        %mul3A_236 = arith.muli %convert_element_type3A_223, %mul3A_235 : vector<16xi32>
        %add3A_237 = arith.addi %mul3A_236, %convert_element_type3A_222 : vector<16xi32>
        %mul3A_238 = arith.constant 1024 : i32
        %mul3A_239 = vector.broadcast %mul3A_238 : i32 to vector<16xi32>
        %mul3A_240 = arith.muli %min3A_233, %mul3A_239 : vector<16xi32>
        %add3A_241 = arith.addi %mul3A_240, %convert_element_type3A_222 : vector<16xi32>
        %shift_right_arithmetic3A_242 = arith.constant 3 : i32
        %shift_right_arithmetic3A_243 = vector.broadcast %shift_right_arithmetic3A_242 : i32 to vector<16xi32>
        %shift_right_arithmetic3A_244 = arith.shrsi %add3A_237, %shift_right_arithmetic3A_243 : vector<16xi32>
        %shift_right_arithmetic3A_245 = arith.constant 3 : i32
        %shift_right_arithmetic3A_246 = vector.broadcast %shift_right_arithmetic3A_245 : i32 to vector<16xi32>
        %shift_right_arithmetic3A_247 = arith.shrsi %add3A_241, %shift_right_arithmetic3A_246 : vector<16xi32>
        %swap3A_248 = arith.index_cast %scan3A_39 : i32 to index
        %swap3A_249 = arith.constant 32 : index
        %swap3A_250 = tpu.vector_load %arg8[%swap3A_248, %swap3A_249] {strides = array<i32>} : memref<16x128xi32, #tpu.memory_space<vmem>>, vector<16xi32>,
        tpu.vector_store %arg8[%swap3A_248, %swap3A_249], %shift_right_arithmetic3A_244 {strides = array<i32>} : memref<16x128xi32, #tpu.memory_space<vmem>>, vector<16xi32>,
        %add3A_251 = arith.constant 1 : i32
        %add3A_252 = vector.broadcast %add3A_251 : i32 to vector<16xi32>
        %add3A_253 = arith.addi %shift_right_arithmetic3A_244, %add3A_252 : vector<16xi32>
        %min3A_254 = arith.constant 131071 : i32
        %min3A_255 = vector.broadcast %min3A_254 : i32 to vector<16xi32>
        %min3A_256 = arith.minsi %add3A_253, %min3A_255 : vector<16xi32>
        %swap3A_257 = arith.index_cast %scan3A_39 : i32 to index
        %swap3A_258 = arith.constant 32 : index
        %swap3A_259 = tpu.vector_load %arg9[%swap3A_257, %swap3A_258] {strides = array<i32>} : memref<16x128xi32, #tpu.memory_space<vmem>>, vector<16xi32>,
        tpu.vector_store %arg9[%swap3A_257, %swap3A_258], %min3A_256 {strides = array<i32>} : memref<16x128xi32, #tpu.memory_space<vmem>>, vector<16xi32>,
        %swap3A_260 = arith.index_cast %scan3A_39 : i32 to index
        %swap3A_261 = arith.constant 32 : index
        %swap3A_262 = tpu.vector_load %arg10[%swap3A_260, %swap3A_261] {strides = array<i32>} : memref<16x128xi32, #tpu.memory_space<vmem>>, vector<16xi32>,
        tpu.vector_store %arg10[%swap3A_260, %swap3A_261], %shift_right_arithmetic3A_247 {strides = array<i32>} : memref<16x128xi32, #tpu.memory_space<vmem>>, vector<16xi32>,
        %add3A_263 = arith.constant 1 : i32
        %add3A_264 = vector.broadcast %add3A_263 : i32 to vector<16xi32>
        %add3A_265 = arith.addi %shift_right_arithmetic3A_247, %add3A_264 : vector<16xi32>
        %min3A_266 = arith.constant 131071 : i32
        %min3A_267 = vector.broadcast %min3A_266 : i32 to vector<16xi32>
        %min3A_268 = arith.minsi %add3A_265, %min3A_267 : vector<16xi32>
        %swap3A_269 = arith.index_cast %scan3A_39 : i32 to index
        %swap3A_270 = arith.constant 32 : index
        %swap3A_271 = tpu.vector_load %arg11[%swap3A_269, %swap3A_270] {strides = array<i32>} : memref<16x128xi32, #tpu.memory_space<vmem>>, vector<16xi32>,
        tpu.vector_store %arg11[%swap3A_269, %swap3A_270], %min3A_268 {strides = array<i32>} : memref<16x128xi32, #tpu.memory_space<vmem>>, vector<16xi32>,
        %and3A_272 = arith.constant 7 : i32
        %and3A_273 = vector.broadcast %and3A_272 : i32 to vector<16xi32>
        %and3A_274 = arith.andi %add3A_237, %and3A_273 : vector<16xi32>
        %swap3A_275 = arith.index_cast %add3A_201 : i32 to index
        %swap3A_276 = tpu.vector_load %arg12[%swap3A_275] {strides = array<i32>} : memref<2048xi32, #tpu.memory_space<vmem>>, vector<16xi32>,
        tpu.vector_store %arg12[%swap3A_275], %and3A_274 {strides = array<i32>} : memref<2048xi32, #tpu.memory_space<vmem>>, vector<16xi32>,
        %swap3A_277 = arith.index_cast %add3A_201 : i32 to index
        %swap3A_278 = tpu.vector_load %arg13[%swap3A_277] {strides = array<i32>} : memref<2048xf32, #tpu.memory_space<vmem>>, vector<16xf32>,
        tpu.vector_store %arg13[%swap3A_277], %sub3A_225 {strides = array<i32>} : memref<2048xf32, #tpu.memory_space<vmem>>, vector<16xf32>,
        %swap3A_279 = arith.index_cast %add3A_201 : i32 to index
        %swap3A_280 = tpu.vector_load %arg14[%swap3A_279] {strides = array<i32>} : memref<2048xf32, #tpu.memory_space<vmem>>, vector<16xf32>,
        tpu.vector_store %arg14[%swap3A_279], %sub3A_227 {strides = array<i32>} : memref<2048xf32, #tpu.memory_space<vmem>>, vector<16xf32>,
        %mul3A_281 = arith.constant 128 : i32
        %mul3A_282 = arith.muli %scan3A_39, %mul3A_281 : i32
        %add3A_283 = arith.constant 48 : i32
        %add3A_284 = arith.addi %mul3A_282, %add3A_283 : i32
        %get3A_285 = arith.index_cast %add3A_284 : i32 to index
        %get3A_286 = tpu.vector_load %arg6[%get3A_285] {strides = array<i32>} : memref<2048xf32, #tpu.memory_space<vmem>>, vector<16xf32>,
        %get3A_287 = arith.index_cast %add3A_284 : i32 to index
        %get3A_288 = tpu.vector_load %arg7[%get3A_287] {strides = array<i32>} : memref<2048xf32, #tpu.memory_space<vmem>>, vector<16xf32>,
        %mul3A_289 = arith.mulf %get3A_288, %get3A_5 : vector<16xf32>
        %add3A_290 = arith.addf %mul3A_289, %get3A_7 : vector<16xf32>
        %jit3A_291 = arith.constant 0.000000e+00 : f32
        %jit3A_292 = arith.constant 1.023000e+03 : f32
        %max3A_293 = vector.broadcast %jit3A_291 : f32 to vector<16xf32>
        %max3A_294 = arith.maximumf %max3A_293, %add3A_290 : vector<16xf32>
        %min3A_295 = vector.broadcast %jit3A_292 : f32 to vector<16xf32>
        %min3A_296 = arith.minimumf %min3A_295, %max3A_294 : vector<16xf32>
        %mul3A_297 = arith.mulf %get3A_286, %get3A_1 : vector<16xf32>
        %add3A_298 = arith.addf %mul3A_297, %get3A_3 : vector<16xf32>
        %jit3A_299 = arith.constant 0.000000e+00 : f32
        %jit3A_300 = arith.constant 1.023000e+03 : f32
        %max3A_301 = vector.broadcast %jit3A_299 : f32 to vector<16xf32>
        %max3A_302 = arith.maximumf %max3A_301, %add3A_298 : vector<16xf32>
        %min3A_303 = vector.broadcast %jit3A_300 : f32 to vector<16xf32>
        %min3A_304 = arith.minimumf %min3A_303, %max3A_302 : vector<16xf32>
        %convert_element_type3A_305 = arith.fptosi %min3A_296 : vector<16xf32> to vector<16xi32>
        %convert_element_type3A_306 = arith.fptosi %min3A_304 : vector<16xf32> to vector<16xi32>
        %convert_element_type3A_307 = arith.sitofp %convert_element_type3A_305 : vector<16xi32> to vector<16xf32>
        %sub3A_308 = arith.subf %min3A_296, %convert_element_type3A_307 : vector<16xf32>
        %convert_element_type3A_309 = arith.sitofp %convert_element_type3A_306 : vector<16xi32> to vector<16xf32>
        %sub3A_310 = arith.subf %min3A_304, %convert_element_type3A_309 : vector<16xf32>
        %add3A_311 = arith.constant 1 : i32
        %add3A_312 = vector.broadcast %add3A_311 : i32 to vector<16xi32>
        %add3A_313 = arith.addi %convert_element_type3A_306, %add3A_312 : vector<16xi32>
        %min3A_314 = arith.constant 1023 : i32
        %min3A_315 = vector.broadcast %min3A_314 : i32 to vector<16xi32>
        %min3A_316 = arith.minsi %add3A_313, %min3A_315 : vector<16xi32>
        %mul3A_317 = arith.constant 1024 : i32
        %mul3A_318 = vector.broadcast %mul3A_317 : i32 to vector<16xi32>
        %mul3A_319 = arith.muli %convert_element_type3A_306, %mul3A_318 : vector<16xi32>
        %add3A_320 = arith.addi %mul3A_319, %convert_element_type3A_305 : vector<16xi32>
        %mul3A_321 = arith.constant 1024 : i32
        %mul3A_322 = vector.broadcast %mul3A_321 : i32 to vector<16xi32>
        %mul3A_323 = arith.muli %min3A_316, %mul3A_322 : vector<16xi32>
        %add3A_324 = arith.addi %mul3A_323, %convert_element_type3A_305 : vector<16xi32>
        %shift_right_arithmetic3A_325 = arith.constant 3 : i32
        %shift_right_arithmetic3A_326 = vector.broadcast %shift_right_arithmetic3A_325 : i32 to vector<16xi32>
        %shift_right_arithmetic3A_327 = arith.shrsi %add3A_320, %shift_right_arithmetic3A_326 : vector<16xi32>
        %shift_right_arithmetic3A_328 = arith.constant 3 : i32
        %shift_right_arithmetic3A_329 = vector.broadcast %shift_right_arithmetic3A_328 : i32 to vector<16xi32>
        %shift_right_arithmetic3A_330 = arith.shrsi %add3A_324, %shift_right_arithmetic3A_329 : vector<16xi32>
        %swap3A_331 = arith.index_cast %scan3A_39 : i32 to index
        %swap3A_332 = arith.constant 48 : index
        %swap3A_333 = tpu.vector_load %arg8[%swap3A_331, %swap3A_332] {strides = array<i32>} : memref<16x128xi32, #tpu.memory_space<vmem>>, vector<16xi32>,
        tpu.vector_store %arg8[%swap3A_331, %swap3A_332], %shift_right_arithmetic3A_327 {strides = array<i32>} : memref<16x128xi32, #tpu.memory_space<vmem>>, vector<16xi32>,
        %add3A_334 = arith.constant 1 : i32
        %add3A_335 = vector.broadcast %add3A_334 : i32 to vector<16xi32>
        %add3A_336 = arith.addi %shift_right_arithmetic3A_327, %add3A_335 : vector<16xi32>
        %min3A_337 = arith.constant 131071 : i32
        %min3A_338 = vector.broadcast %min3A_337 : i32 to vector<16xi32>
        %min3A_339 = arith.minsi %add3A_336, %min3A_338 : vector<16xi32>
        %swap3A_340 = arith.index_cast %scan3A_39 : i32 to index
        %swap3A_341 = arith.constant 48 : index
        %swap3A_342 = tpu.vector_load %arg9[%swap3A_340, %swap3A_341] {strides = array<i32>} : memref<16x128xi32, #tpu.memory_space<vmem>>, vector<16xi32>,
        tpu.vector_store %arg9[%swap3A_340, %swap3A_341], %min3A_339 {strides = array<i32>} : memref<16x128xi32, #tpu.memory_space<vmem>>, vector<16xi32>,
        %swap3A_343 = arith.index_cast %scan3A_39 : i32 to index
        %swap3A_344 = arith.constant 48 : index
        %swap3A_345 = tpu.vector_load %arg10[%swap3A_343, %swap3A_344] {strides = array<i32>} : memref<16x128xi32, #tpu.memory_space<vmem>>, vector<16xi32>,
        tpu.vector_store %arg10[%swap3A_343, %swap3A_344], %shift_right_arithmetic3A_330 {strides = array<i32>} : memref<16x128xi32, #tpu.memory_space<vmem>>, vector<16xi32>,
        %add3A_346 = arith.constant 1 : i32
        %add3A_347 = vector.broadcast %add3A_346 : i32 to vector<16xi32>
        %add3A_348 = arith.addi %shift_right_arithmetic3A_330, %add3A_347 : vector<16xi32>
        %min3A_349 = arith.constant 131071 : i32
        %min3A_350 = vector.broadcast %min3A_349 : i32 to vector<16xi32>
        %min3A_351 = arith.minsi %add3A_348, %min3A_350 : vector<16xi32>
        %swap3A_352 = arith.index_cast %scan3A_39 : i32 to index
        %swap3A_353 = arith.constant 48 : index
        %swap3A_354 = tpu.vector_load %arg11[%swap3A_352, %swap3A_353] {strides = array<i32>} : memref<16x128xi32, #tpu.memory_space<vmem>>, vector<16xi32>,
        tpu.vector_store %arg11[%swap3A_352, %swap3A_353], %min3A_351 {strides = array<i32>} : memref<16x128xi32, #tpu.memory_space<vmem>>, vector<16xi32>,
        %and3A_355 = arith.constant 7 : i32
        %and3A_356 = vector.broadcast %and3A_355 : i32 to vector<16xi32>
        %and3A_357 = arith.andi %add3A_320, %and3A_356 : vector<16xi32>
        %swap3A_358 = arith.index_cast %add3A_284 : i32 to index
        %swap3A_359 = tpu.vector_load %arg12[%swap3A_358] {strides = array<i32>} : memref<2048xi32, #tpu.memory_space<vmem>>, vector<16xi32>,
        tpu.vector_store %arg12[%swap3A_358], %and3A_357 {strides = array<i32>} : memref<2048xi32, #tpu.memory_space<vmem>>, vector<16xi32>,
        %swap3A_360 = arith.index_cast %add3A_284 : i32 to index
        %swap3A_361 = tpu.vector_load %arg13[%swap3A_360] {strides = array<i32>} : memref<2048xf32, #tpu.memory_space<vmem>>, vector<16xf32>,
        tpu.vector_store %arg13[%swap3A_360], %sub3A_308 {strides = array<i32>} : memref<2048xf32, #tpu.memory_space<vmem>>, vector<16xf32>,
        %swap3A_362 = arith.index_cast %add3A_284 : i32 to index
        %swap3A_363 = tpu.vector_load %arg14[%swap3A_362] {strides = array<i32>} : memref<2048xf32, #tpu.memory_space<vmem>>, vector<16xf32>,
        tpu.vector_store %arg14[%swap3A_362], %sub3A_310 {strides = array<i32>} : memref<2048xf32, #tpu.memory_space<vmem>>, vector<16xf32>,
        %mul3A_364 = arith.constant 128 : i32
        %mul3A_365 = arith.muli %scan3A_39, %mul3A_364 : i32
        %add3A_366 = arith.constant 64 : i32
        %add3A_367 = arith.addi %mul3A_365, %add3A_366 : i32
        %get3A_368 = arith.index_cast %add3A_367 : i32 to index
        %get3A_369 = tpu.vector_load %arg6[%get3A_368] {strides = array<i32>} : memref<2048xf32, #tpu.memory_space<vmem>>, vector<16xf32>,
        %get3A_370 = arith.index_cast %add3A_367 : i32 to index
        %get3A_371 = tpu.vector_load %arg7[%get3A_370] {strides = array<i32>} : memref<2048xf32, #tpu.memory_space<vmem>>, vector<16xf32>,
        %mul3A_372 = arith.mulf %get3A_371, %get3A_5 : vector<16xf32>
        %add3A_373 = arith.addf %mul3A_372, %get3A_7 : vector<16xf32>
        %jit3A_374 = arith.constant 0.000000e+00 : f32
        %jit3A_375 = arith.constant 1.023000e+03 : f32
        %max3A_376 = vector.broadcast %jit3A_374 : f32 to vector<16xf32>
        %max3A_377 = arith.maximumf %max3A_376, %add3A_373 : vector<16xf32>
        %min3A_378 = vector.broadcast %jit3A_375 : f32 to vector<16xf32>
        %min3A_379 = arith.minimumf %min3A_378, %max3A_377 : vector<16xf32>
        %mul3A_380 = arith.mulf %get3A_369, %get3A_1 : vector<16xf32>
        %add3A_381 = arith.addf %mul3A_380, %get3A_3 : vector<16xf32>
        %jit3A_382 = arith.constant 0.000000e+00 : f32
        %jit3A_383 = arith.constant 1.023000e+03 : f32
        %max3A_384 = vector.broadcast %jit3A_382 : f32 to vector<16xf32>
        %max3A_385 = arith.maximumf %max3A_384, %add3A_381 : vector<16xf32>
        %min3A_386 = vector.broadcast %jit3A_383 : f32 to vector<16xf32>
        %min3A_387 = arith.minimumf %min3A_386, %max3A_385 : vector<16xf32>
        %convert_element_type3A_388 = arith.fptosi %min3A_379 : vector<16xf32> to vector<16xi32>
        %convert_element_type3A_389 = arith.fptosi %min3A_387 : vector<16xf32> to vector<16xi32>
        %convert_element_type3A_390 = arith.sitofp %convert_element_type3A_388 : vector<16xi32> to vector<16xf32>
        %sub3A_391 = arith.subf %min3A_379, %convert_element_type3A_390 : vector<16xf32>
        %convert_element_type3A_392 = arith.sitofp %convert_element_type3A_389 : vector<16xi32> to vector<16xf32>
        %sub3A_393 = arith.subf %min3A_387, %convert_element_type3A_392 : vector<16xf32>
        %add3A_394 = arith.constant 1 : i32
        %add3A_395 = vector.broadcast %add3A_394 : i32 to vector<16xi32>
        %add3A_396 = arith.addi %convert_element_type3A_389, %add3A_395 : vector<16xi32>
        %min3A_397 = arith.constant 1023 : i32
        %min3A_398 = vector.broadcast %min3A_397 : i32 to vector<16xi32>
        %min3A_399 = arith.minsi %add3A_396, %min3A_398 : vector<16xi32>
        %mul3A_400 = arith.constant 1024 : i32
        %mul3A_401 = vector.broadcast %mul3A_400 : i32 to vector<16xi32>
        %mul3A_402 = arith.muli %convert_element_type3A_389, %mul3A_401 : vector<16xi32>
        %add3A_403 = arith.addi %mul3A_402, %convert_element_type3A_388 : vector<16xi32>
        %mul3A_404 = arith.constant 1024 : i32
        %mul3A_405 = vector.broadcast %mul3A_404 : i32 to vector<16xi32>
        %mul3A_406 = arith.muli %min3A_399, %mul3A_405 : vector<16xi32>
        %add3A_407 = arith.addi %mul3A_406, %convert_element_type3A_388 : vector<16xi32>
        %shift_right_arithmetic3A_408 = arith.constant 3 : i32
        %shift_right_arithmetic3A_409 = vector.broadcast %shift_right_arithmetic3A_408 : i32 to vector<16xi32>
        %shift_right_arithmetic3A_410 = arith.shrsi %add3A_403, %shift_right_arithmetic3A_409 : vector<16xi32>
        %shift_right_arithmetic3A_411 = arith.constant 3 : i32
        %shift_right_arithmetic3A_412 = vector.broadcast %shift_right_arithmetic3A_411 : i32 to vector<16xi32>
        %shift_right_arithmetic3A_413 = arith.shrsi %add3A_407, %shift_right_arithmetic3A_412 : vector<16xi32>
        %swap3A_414 = arith.index_cast %scan3A_39 : i32 to index
        %swap3A_415 = arith.constant 64 : index
        %swap3A_416 = tpu.vector_load %arg8[%swap3A_414, %swap3A_415] {strides = array<i32>} : memref<16x128xi32, #tpu.memory_space<vmem>>, vector<16xi32>,
        tpu.vector_store %arg8[%swap3A_414, %swap3A_415], %shift_right_arithmetic3A_410 {strides = array<i32>} : memref<16x128xi32, #tpu.memory_space<vmem>>, vector<16xi32>,
        %add3A_417 = arith.constant 1 : i32
        %add3A_418 = vector.broadcast %add3A_417 : i32 to vector<16xi32>
        %add3A_419 = arith.addi %shift_right_arithmetic3A_410, %add3A_418 : vector<16xi32>
        %min3A_420 = arith.constant 131071 : i32
        %min3A_421 = vector.broadcast %min3A_420 : i32 to vector<16xi32>
        %min3A_422 = arith.minsi %add3A_419, %min3A_421 : vector<16xi32>
        %swap3A_423 = arith.index_cast %scan3A_39 : i32 to index
        %swap3A_424 = arith.constant 64 : index
        %swap3A_425 = tpu.vector_load %arg9[%swap3A_423, %swap3A_424] {strides = array<i32>} : memref<16x128xi32, #tpu.memory_space<vmem>>, vector<16xi32>,
        tpu.vector_store %arg9[%swap3A_423, %swap3A_424], %min3A_422 {strides = array<i32>} : memref<16x128xi32, #tpu.memory_space<vmem>>, vector<16xi32>,
        %swap3A_426 = arith.index_cast %scan3A_39 : i32 to index
        %swap3A_427 = arith.constant 64 : index
        %swap3A_428 = tpu.vector_load %arg10[%swap3A_426, %swap3A_427] {strides = array<i32>} : memref<16x128xi32, #tpu.memory_space<vmem>>, vector<16xi32>,
        tpu.vector_store %arg10[%swap3A_426, %swap3A_427], %shift_right_arithmetic3A_413 {strides = array<i32>} : memref<16x128xi32, #tpu.memory_space<vmem>>, vector<16xi32>,
        %add3A_429 = arith.constant 1 : i32
        %add3A_430 = vector.broadcast %add3A_429 : i32 to vector<16xi32>
        %add3A_431 = arith.addi %shift_right_arithmetic3A_413, %add3A_430 : vector<16xi32>
        %min3A_432 = arith.constant 131071 : i32
        %min3A_433 = vector.broadcast %min3A_432 : i32 to vector<16xi32>
        %min3A_434 = arith.minsi %add3A_431, %min3A_433 : vector<16xi32>
        %swap3A_435 = arith.index_cast %scan3A_39 : i32 to index
        %swap3A_436 = arith.constant 64 : index
        %swap3A_437 = tpu.vector_load %arg11[%swap3A_435, %swap3A_436] {strides = array<i32>} : memref<16x128xi32, #tpu.memory_space<vmem>>, vector<16xi32>,
        tpu.vector_store %arg11[%swap3A_435, %swap3A_436], %min3A_434 {strides = array<i32>} : memref<16x128xi32, #tpu.memory_space<vmem>>, vector<16xi32>,
        %and3A_438 = arith.constant 7 : i32
        %and3A_439 = vector.broadcast %and3A_438 : i32 to vector<16xi32>
        %and3A_440 = arith.andi %add3A_403, %and3A_439 : vector<16xi32>
        %swap3A_441 = arith.index_cast %add3A_367 : i32 to index
        %swap3A_442 = tpu.vector_load %arg12[%swap3A_441] {strides = array<i32>} : memref<2048xi32, #tpu.memory_space<vmem>>, vector<16xi32>,
        tpu.vector_store %arg12[%swap3A_441], %and3A_440 {strides = array<i32>} : memref<2048xi32, #tpu.memory_space<vmem>>, vector<16xi32>,
        %swap3A_443 = arith.index_cast %add3A_367 : i32 to index
        %swap3A_444 = tpu.vector_load %arg13[%swap3A_443] {strides = array<i32>} : memref<2048xf32, #tpu.memory_space<vmem>>, vector<16xf32>,
        tpu.vector_store %arg13[%swap3A_443], %sub3A_391 {strides = array<i32>} : memref<2048xf32, #tpu.memory_space<vmem>>, vector<16xf32>,
        %swap3A_445 = arith.index_cast %add3A_367 : i32 to index
        %swap3A_446 = tpu.vector_load %arg14[%swap3A_445] {strides = array<i32>} : memref<2048xf32, #tpu.memory_space<vmem>>, vector<16xf32>,
        tpu.vector_store %arg14[%swap3A_445], %sub3A_393 {strides = array<i32>} : memref<2048xf32, #tpu.memory_space<vmem>>, vector<16xf32>,
        %mul3A_447 = arith.constant 128 : i32
        %mul3A_448 = arith.muli %scan3A_39, %mul3A_447 : i32
        %add3A_449 = arith.constant 80 : i32
        %add3A_450 = arith.addi %mul3A_448, %add3A_449 : i32
        %get3A_451 = arith.index_cast %add3A_450 : i32 to index
        %get3A_452 = tpu.vector_load %arg6[%get3A_451] {strides = array<i32>} : memref<2048xf32, #tpu.memory_space<vmem>>, vector<16xf32>,
        %get3A_453 = arith.index_cast %add3A_450 : i32 to index
        %get3A_454 = tpu.vector_load %arg7[%get3A_453] {strides = array<i32>} : memref<2048xf32, #tpu.memory_space<vmem>>, vector<16xf32>,
        %mul3A_455 = arith.mulf %get3A_454, %get3A_5 : vector<16xf32>
        %add3A_456 = arith.addf %mul3A_455, %get3A_7 : vector<16xf32>
        %jit3A_457 = arith.constant 0.000000e+00 : f32
        %jit3A_458 = arith.constant 1.023000e+03 : f32
        %max3A_459 = vector.broadcast %jit3A_457 : f32 to vector<16xf32>
        %max3A_460 = arith.maximumf %max3A_459, %add3A_456 : vector<16xf32>
        %min3A_461 = vector.broadcast %jit3A_458 : f32 to vector<16xf32>
        %min3A_462 = arith.minimumf %min3A_461, %max3A_460 : vector<16xf32>
        %mul3A_463 = arith.mulf %get3A_452, %get3A_1 : vector<16xf32>
        %add3A_464 = arith.addf %mul3A_463, %get3A_3 : vector<16xf32>
        %jit3A_465 = arith.constant 0.000000e+00 : f32
        %jit3A_466 = arith.constant 1.023000e+03 : f32
        %max3A_467 = vector.broadcast %jit3A_465 : f32 to vector<16xf32>
        %max3A_468 = arith.maximumf %max3A_467, %add3A_464 : vector<16xf32>
        %min3A_469 = vector.broadcast %jit3A_466 : f32 to vector<16xf32>
        %min3A_470 = arith.minimumf %min3A_469, %max3A_468 : vector<16xf32>
        %convert_element_type3A_471 = arith.fptosi %min3A_462 : vector<16xf32> to vector<16xi32>
        %convert_element_type3A_472 = arith.fptosi %min3A_470 : vector<16xf32> to vector<16xi32>
        %convert_element_type3A_473 = arith.sitofp %convert_element_type3A_471 : vector<16xi32> to vector<16xf32>
        %sub3A_474 = arith.subf %min3A_462, %convert_element_type3A_473 : vector<16xf32>
        %convert_element_type3A_475 = arith.sitofp %convert_element_type3A_472 : vector<16xi32> to vector<16xf32>
        %sub3A_476 = arith.subf %min3A_470, %convert_element_type3A_475 : vector<16xf32>
        %add3A_477 = arith.constant 1 : i32
        %add3A_478 = vector.broadcast %add3A_477 : i32 to vector<16xi32>
        %add3A_479 = arith.addi %convert_element_type3A_472, %add3A_478 : vector<16xi32>
        %min3A_480 = arith.constant 1023 : i32
        %min3A_481 = vector.broadcast %min3A_480 : i32 to vector<16xi32>
        %min3A_482 = arith.minsi %add3A_479, %min3A_481 : vector<16xi32>
        %mul3A_483 = arith.constant 1024 : i32
        %mul3A_484 = vector.broadcast %mul3A_483 : i32 to vector<16xi32>
        %mul3A_485 = arith.muli %convert_element_type3A_472, %mul3A_484 : vector<16xi32>
        %add3A_486 = arith.addi %mul3A_485, %convert_element_type3A_471 : vector<16xi32>
        %mul3A_487 = arith.constant 1024 : i32
        %mul3A_488 = vector.broadcast %mul3A_487 : i32 to vector<16xi32>
        %mul3A_489 = arith.muli %min3A_482, %mul3A_488 : vector<16xi32>
        %add3A_490 = arith.addi %mul3A_489, %convert_element_type3A_471 : vector<16xi32>
        %shift_right_arithmetic3A_491 = arith.constant 3 : i32
        %shift_right_arithmetic3A_492 = vector.broadcast %shift_right_arithmetic3A_491 : i32 to vector<16xi32>
        %shift_right_arithmetic3A_493 = arith.shrsi %add3A_486, %shift_right_arithmetic3A_492 : vector<16xi32>
        %shift_right_arithmetic3A_494 = arith.constant 3 : i32
        %shift_right_arithmetic3A_495 = vector.broadcast %shift_right_arithmetic3A_494 : i32 to vector<16xi32>
        %shift_right_arithmetic3A_496 = arith.shrsi %add3A_490, %shift_right_arithmetic3A_495 : vector<16xi32>
        %swap3A_497 = arith.index_cast %scan3A_39 : i32 to index
        %swap3A_498 = arith.constant 80 : index
        %swap3A_499 = tpu.vector_load %arg8[%swap3A_497, %swap3A_498] {strides = array<i32>} : memref<16x128xi32, #tpu.memory_space<vmem>>, vector<16xi32>,
        tpu.vector_store %arg8[%swap3A_497, %swap3A_498], %shift_right_arithmetic3A_493 {strides = array<i32>} : memref<16x128xi32, #tpu.memory_space<vmem>>, vector<16xi32>,
        %add3A_500 = arith.constant 1 : i32
        %add3A_501 = vector.broadcast %add3A_500 : i32 to vector<16xi32>
        %add3A_502 = arith.addi %shift_right_arithmetic3A_493, %add3A_501 : vector<16xi32>
        %min3A_503 = arith.constant 131071 : i32
        %min3A_504 = vector.broadcast %min3A_503 : i32 to vector<16xi32>
        %min3A_505 = arith.minsi %add3A_502, %min3A_504 : vector<16xi32>
        %swap3A_506 = arith.index_cast %scan3A_39 : i32 to index
        %swap3A_507 = arith.constant 80 : index
        %swap3A_508 = tpu.vector_load %arg9[%swap3A_506, %swap3A_507] {strides = array<i32>} : memref<16x128xi32, #tpu.memory_space<vmem>>, vector<16xi32>,
        tpu.vector_store %arg9[%swap3A_506, %swap3A_507], %min3A_505 {strides = array<i32>} : memref<16x128xi32, #tpu.memory_space<vmem>>, vector<16xi32>,
        %swap3A_509 = arith.index_cast %scan3A_39 : i32 to index
        %swap3A_510 = arith.constant 80 : index
        %swap3A_511 = tpu.vector_load %arg10[%swap3A_509, %swap3A_510] {strides = array<i32>} : memref<16x128xi32, #tpu.memory_space<vmem>>, vector<16xi32>,
        tpu.vector_store %arg10[%swap3A_509, %swap3A_510], %shift_right_arithmetic3A_496 {strides = array<i32>} : memref<16x128xi32, #tpu.memory_space<vmem>>, vector<16xi32>,
        %add3A_512 = arith.constant 1 : i32
        %add3A_513 = vector.broadcast %add3A_512 : i32 to vector<16xi32>
        %add3A_514 = arith.addi %shift_right_arithmetic3A_496, %add3A_513 : vector<16xi32>
        %min3A_515 = arith.constant 131071 : i32
        %min3A_516 = vector.broadcast %min3A_515 : i32 to vector<16xi32>
        %min3A_517 = arith.minsi %add3A_514, %min3A_516 : vector<16xi32>
        %swap3A_518 = arith.index_cast %scan3A_39 : i32 to index
        %swap3A_519 = arith.constant 80 : index
        %swap3A_520 = tpu.vector_load %arg11[%swap3A_518, %swap3A_519] {strides = array<i32>} : memref<16x128xi32, #tpu.memory_space<vmem>>, vector<16xi32>,
        tpu.vector_store %arg11[%swap3A_518, %swap3A_519], %min3A_517 {strides = array<i32>} : memref<16x128xi32, #tpu.memory_space<vmem>>, vector<16xi32>,
        %and3A_521 = arith.constant 7 : i32
        %and3A_522 = vector.broadcast %and3A_521 : i32 to vector<16xi32>
        %and3A_523 = arith.andi %add3A_486, %and3A_522 : vector<16xi32>
        %swap3A_524 = arith.index_cast %add3A_450 : i32 to index
        %swap3A_525 = tpu.vector_load %arg12[%swap3A_524] {strides = array<i32>} : memref<2048xi32, #tpu.memory_space<vmem>>, vector<16xi32>,
        tpu.vector_store %arg12[%swap3A_524], %and3A_523 {strides = array<i32>} : memref<2048xi32, #tpu.memory_space<vmem>>, vector<16xi32>,
        %swap3A_526 = arith.index_cast %add3A_450 : i32 to index
        %swap3A_527 = tpu.vector_load %arg13[%swap3A_526] {strides = array<i32>} : memref<2048xf32, #tpu.memory_space<vmem>>, vector<16xf32>,
        tpu.vector_store %arg13[%swap3A_526], %sub3A_474 {strides = array<i32>} : memref<2048xf32, #tpu.memory_space<vmem>>, vector<16xf32>,
        %swap3A_528 = arith.index_cast %add3A_450 : i32 to index
        %swap3A_529 = tpu.vector_load %arg14[%swap3A_528] {strides = array<i32>} : memref<2048xf32, #tpu.memory_space<vmem>>, vector<16xf32>,
        tpu.vector_store %arg14[%swap3A_528], %sub3A_476 {strides = array<i32>} : memref<2048xf32, #tpu.memory_space<vmem>>, vector<16xf32>,
        %mul3A_530 = arith.constant 128 : i32
        %mul3A_531 = arith.muli %scan3A_39, %mul3A_530 : i32
        %add3A_532 = arith.constant 96 : i32
        %add3A_533 = arith.addi %mul3A_531, %add3A_532 : i32
        %get3A_534 = arith.index_cast %add3A_533 : i32 to index
        %get3A_535 = tpu.vector_load %arg6[%get3A_534] {strides = array<i32>} : memref<2048xf32, #tpu.memory_space<vmem>>, vector<16xf32>,
        %get3A_536 = arith.index_cast %add3A_533 : i32 to index
        %get3A_537 = tpu.vector_load %arg7[%get3A_536] {strides = array<i32>} : memref<2048xf32, #tpu.memory_space<vmem>>, vector<16xf32>,
        %mul3A_538 = arith.mulf %get3A_537, %get3A_5 : vector<16xf32>
        %add3A_539 = arith.addf %mul3A_538, %get3A_7 : vector<16xf32>
        %jit3A_540 = arith.constant 0.000000e+00 : f32
        %jit3A_541 = arith.constant 1.023000e+03 : f32
        %max3A_542 = vector.broadcast %jit3A_540 : f32 to vector<16xf32>
        %max3A_543 = arith.maximumf %max3A_542, %add3A_539 : vector<16xf32>
        %min3A_544 = vector.broadcast %jit3A_541 : f32 to vector<16xf32>
        %min3A_545 = arith.minimumf %min3A_544, %max3A_543 : vector<16xf32>
        %mul3A_546 = arith.mulf %get3A_535, %get3A_1 : vector<16xf32>
        %add3A_547 = arith.addf %mul3A_546, %get3A_3 : vector<16xf32>
        %jit3A_548 = arith.constant 0.000000e+00 : f32
        %jit3A_549 = arith.constant 1.023000e+03 : f32
        %max3A_550 = vector.broadcast %jit3A_548 : f32 to vector<16xf32>
        %max3A_551 = arith.maximumf %max3A_550, %add3A_547 : vector<16xf32>
        %min3A_552 = vector.broadcast %jit3A_549 : f32 to vector<16xf32>
        %min3A_553 = arith.minimumf %min3A_552, %max3A_551 : vector<16xf32>
        %convert_element_type3A_554 = arith.fptosi %min3A_545 : vector<16xf32> to vector<16xi32>
        %convert_element_type3A_555 = arith.fptosi %min3A_553 : vector<16xf32> to vector<16xi32>
        %convert_element_type3A_556 = arith.sitofp %convert_element_type3A_554 : vector<16xi32> to vector<16xf32>
        %sub3A_557 = arith.subf %min3A_545, %convert_element_type3A_556 : vector<16xf32>
        %convert_element_type3A_558 = arith.sitofp %convert_element_type3A_555 : vector<16xi32> to vector<16xf32>
        %sub3A_559 = arith.subf %min3A_553, %convert_element_type3A_558 : vector<16xf32>
        %add3A_560 = arith.constant 1 : i32
        %add3A_561 = vector.broadcast %add3A_560 : i32 to vector<16xi32>
        %add3A_562 = arith.addi %convert_element_type3A_555, %add3A_561 : vector<16xi32>
        %min3A_563 = arith.constant 1023 : i32
        %min3A_564 = vector.broadcast %min3A_563 : i32 to vector<16xi32>
        %min3A_565 = arith.minsi %add3A_562, %min3A_564 : vector<16xi32>
        %mul3A_566 = arith.constant 1024 : i32
        %mul3A_567 = vector.broadcast %mul3A_566 : i32 to vector<16xi32>
        %mul3A_568 = arith.muli %convert_element_type3A_555, %mul3A_567 : vector<16xi32>
        %add3A_569 = arith.addi %mul3A_568, %convert_element_type3A_554 : vector<16xi32>
        %mul3A_570 = arith.constant 1024 : i32
        %mul3A_571 = vector.broadcast %mul3A_570 : i32 to vector<16xi32>
        %mul3A_572 = arith.muli %min3A_565, %mul3A_571 : vector<16xi32>
        %add3A_573 = arith.addi %mul3A_572, %convert_element_type3A_554 : vector<16xi32>
        %shift_right_arithmetic3A_574 = arith.constant 3 : i32
        %shift_right_arithmetic3A_575 = vector.broadcast %shift_right_arithmetic3A_574 : i32 to vector<16xi32>
        %shift_right_arithmetic3A_576 = arith.shrsi %add3A_569, %shift_right_arithmetic3A_575 : vector<16xi32>
        %shift_right_arithmetic3A_577 = arith.constant 3 : i32
        %shift_right_arithmetic3A_578 = vector.broadcast %shift_right_arithmetic3A_577 : i32 to vector<16xi32>
        %shift_right_arithmetic3A_579 = arith.shrsi %add3A_573, %shift_right_arithmetic3A_578 : vector<16xi32>
        %swap3A_580 = arith.index_cast %scan3A_39 : i32 to index
        %swap3A_581 = arith.constant 96 : index
        %swap3A_582 = tpu.vector_load %arg8[%swap3A_580, %swap3A_581] {strides = array<i32>} : memref<16x128xi32, #tpu.memory_space<vmem>>, vector<16xi32>,
        tpu.vector_store %arg8[%swap3A_580, %swap3A_581], %shift_right_arithmetic3A_576 {strides = array<i32>} : memref<16x128xi32, #tpu.memory_space<vmem>>, vector<16xi32>,
        %add3A_583 = arith.constant 1 : i32
        %add3A_584 = vector.broadcast %add3A_583 : i32 to vector<16xi32>
        %add3A_585 = arith.addi %shift_right_arithmetic3A_576, %add3A_584 : vector<16xi32>
        %min3A_586 = arith.constant 131071 : i32
        %min3A_587 = vector.broadcast %min3A_586 : i32 to vector<16xi32>
        %min3A_588 = arith.minsi %add3A_585, %min3A_587 : vector<16xi32>
        %swap3A_589 = arith.index_cast %scan3A_39 : i32 to index
        %swap3A_590 = arith.constant 96 : index
        %swap3A_591 = tpu.vector_load %arg9[%swap3A_589, %swap3A_590] {strides = array<i32>} : memref<16x128xi32, #tpu.memory_space<vmem>>, vector<16xi32>,
        tpu.vector_store %arg9[%swap3A_589, %swap3A_590], %min3A_588 {strides = array<i32>} : memref<16x128xi32, #tpu.memory_space<vmem>>, vector<16xi32>,
        %swap3A_592 = arith.index_cast %scan3A_39 : i32 to index
        %swap3A_593 = arith.constant 96 : index
        %swap3A_594 = tpu.vector_load %arg10[%swap3A_592, %swap3A_593] {strides = array<i32>} : memref<16x128xi32, #tpu.memory_space<vmem>>, vector<16xi32>,
        tpu.vector_store %arg10[%swap3A_592, %swap3A_593], %shift_right_arithmetic3A_579 {strides = array<i32>} : memref<16x128xi32, #tpu.memory_space<vmem>>, vector<16xi32>,
        %add3A_595 = arith.constant 1 : i32
        %add3A_596 = vector.broadcast %add3A_595 : i32 to vector<16xi32>
        %add3A_597 = arith.addi %shift_right_arithmetic3A_579, %add3A_596 : vector<16xi32>
        %min3A_598 = arith.constant 131071 : i32
        %min3A_599 = vector.broadcast %min3A_598 : i32 to vector<16xi32>
        %min3A_600 = arith.minsi %add3A_597, %min3A_599 : vector<16xi32>
        %swap3A_601 = arith.index_cast %scan3A_39 : i32 to index
        %swap3A_602 = arith.constant 96 : index
        %swap3A_603 = tpu.vector_load %arg11[%swap3A_601, %swap3A_602] {strides = array<i32>} : memref<16x128xi32, #tpu.memory_space<vmem>>, vector<16xi32>,
        tpu.vector_store %arg11[%swap3A_601, %swap3A_602], %min3A_600 {strides = array<i32>} : memref<16x128xi32, #tpu.memory_space<vmem>>, vector<16xi32>,
        %and3A_604 = arith.constant 7 : i32
        %and3A_605 = vector.broadcast %and3A_604 : i32 to vector<16xi32>
        %and3A_606 = arith.andi %add3A_569, %and3A_605 : vector<16xi32>
        %swap3A_607 = arith.index_cast %add3A_533 : i32 to index
        %swap3A_608 = tpu.vector_load %arg12[%swap3A_607] {strides = array<i32>} : memref<2048xi32, #tpu.memory_space<vmem>>, vector<16xi32>,
        tpu.vector_store %arg12[%swap3A_607], %and3A_606 {strides = array<i32>} : memref<2048xi32, #tpu.memory_space<vmem>>, vector<16xi32>,
        %swap3A_609 = arith.index_cast %add3A_533 : i32 to index
        %swap3A_610 = tpu.vector_load %arg13[%swap3A_609] {strides = array<i32>} : memref<2048xf32, #tpu.memory_space<vmem>>, vector<16xf32>,
        tpu.vector_store %arg13[%swap3A_609], %sub3A_557 {strides = array<i32>} : memref<2048xf32, #tpu.memory_space<vmem>>, vector<16xf32>,
        %swap3A_611 = arith.index_cast %add3A_533 : i32 to index
        %swap3A_612 = tpu.vector_load %arg14[%swap3A_611] {strides = array<i32>} : memref<2048xf32, #tpu.memory_space<vmem>>, vector<16xf32>,
        tpu.vector_store %arg14[%swap3A_611], %sub3A_559 {strides = array<i32>} : memref<2048xf32, #tpu.memory_space<vmem>>, vector<16xf32>,
        %mul3A_613 = arith.constant 128 : i32
        %mul3A_614 = arith.muli %scan3A_39, %mul3A_613 : i32
        %add3A_615 = arith.constant 112 : i32
        %add3A_616 = arith.addi %mul3A_614, %add3A_615 : i32
        %get3A_617 = arith.index_cast %add3A_616 : i32 to index
        %get3A_618 = tpu.vector_load %arg6[%get3A_617] {strides = array<i32>} : memref<2048xf32, #tpu.memory_space<vmem>>, vector<16xf32>,
        %get3A_619 = arith.index_cast %add3A_616 : i32 to index
        %get3A_620 = tpu.vector_load %arg7[%get3A_619] {strides = array<i32>} : memref<2048xf32, #tpu.memory_space<vmem>>, vector<16xf32>,
        %mul3A_621 = arith.mulf %get3A_620, %get3A_5 : vector<16xf32>
        %add3A_622 = arith.addf %mul3A_621, %get3A_7 : vector<16xf32>
        %jit3A_623 = arith.constant 0.000000e+00 : f32
        %jit3A_624 = arith.constant 1.023000e+03 : f32
        %max3A_625 = vector.broadcast %jit3A_623 : f32 to vector<16xf32>
        %max3A_626 = arith.maximumf %max3A_625, %add3A_622 : vector<16xf32>
        %min3A_627 = vector.broadcast %jit3A_624 : f32 to vector<16xf32>
        %min3A_628 = arith.minimumf %min3A_627, %max3A_626 : vector<16xf32>
        %mul3A_629 = arith.mulf %get3A_618, %get3A_1 : vector<16xf32>
        %add3A_630 = arith.addf %mul3A_629, %get3A_3 : vector<16xf32>
        %jit3A_631 = arith.constant 0.000000e+00 : f32
        %jit3A_632 = arith.constant 1.023000e+03 : f32
        %max3A_633 = vector.broadcast %jit3A_631 : f32 to vector<16xf32>
        %max3A_634 = arith.maximumf %max3A_633, %add3A_630 : vector<16xf32>
        %min3A_635 = vector.broadcast %jit3A_632 : f32 to vector<16xf32>
        %min3A_636 = arith.minimumf %min3A_635, %max3A_634 : vector<16xf32>
        %convert_element_type3A_637 = arith.fptosi %min3A_628 : vector<16xf32> to vector<16xi32>
        %convert_element_type3A_638 = arith.fptosi %min3A_636 : vector<16xf32> to vector<16xi32>
        %convert_element_type3A_639 = arith.sitofp %convert_element_type3A_637 : vector<16xi32> to vector<16xf32>
        %sub3A_640 = arith.subf %min3A_628, %convert_element_type3A_639 : vector<16xf32>
        %convert_element_type3A_641 = arith.sitofp %convert_element_type3A_638 : vector<16xi32> to vector<16xf32>
        %sub3A_642 = arith.subf %min3A_636, %convert_element_type3A_641 : vector<16xf32>
        %add3A_643 = arith.constant 1 : i32
        %add3A_644 = vector.broadcast %add3A_643 : i32 to vector<16xi32>
        %add3A_645 = arith.addi %convert_element_type3A_638, %add3A_644 : vector<16xi32>
        %min3A_646 = arith.constant 1023 : i32
        %min3A_647 = vector.broadcast %min3A_646 : i32 to vector<16xi32>
        %min3A_648 = arith.minsi %add3A_645, %min3A_647 : vector<16xi32>
        %mul3A_649 = arith.constant 1024 : i32
        %mul3A_650 = vector.broadcast %mul3A_649 : i32 to vector<16xi32>
        %mul3A_651 = arith.muli %convert_element_type3A_638, %mul3A_650 : vector<16xi32>
        %add3A_652 = arith.addi %mul3A_651, %convert_element_type3A_637 : vector<16xi32>
        %mul3A_653 = arith.constant 1024 : i32
        %mul3A_654 = vector.broadcast %mul3A_653 : i32 to vector<16xi32>
        %mul3A_655 = arith.muli %min3A_648, %mul3A_654 : vector<16xi32>
        %add3A_656 = arith.addi %mul3A_655, %convert_element_type3A_637 : vector<16xi32>
        %shift_right_arithmetic3A_657 = arith.constant 3 : i32
        %shift_right_arithmetic3A_658 = vector.broadcast %shift_right_arithmetic3A_657 : i32 to vector<16xi32>
        %shift_right_arithmetic3A_659 = arith.shrsi %add3A_652, %shift_right_arithmetic3A_658 : vector<16xi32>
        %shift_right_arithmetic3A_660 = arith.constant 3 : i32
        %shift_right_arithmetic3A_661 = vector.broadcast %shift_right_arithmetic3A_660 : i32 to vector<16xi32>
        %shift_right_arithmetic3A_662 = arith.shrsi %add3A_656, %shift_right_arithmetic3A_661 : vector<16xi32>
        %swap3A_663 = arith.index_cast %scan3A_39 : i32 to index
        %swap3A_664 = arith.constant 112 : index
        %swap3A_665 = tpu.vector_load %arg8[%swap3A_663, %swap3A_664] {strides = array<i32>} : memref<16x128xi32, #tpu.memory_space<vmem>>, vector<16xi32>,
        tpu.vector_store %arg8[%swap3A_663, %swap3A_664], %shift_right_arithmetic3A_659 {strides = array<i32>} : memref<16x128xi32, #tpu.memory_space<vmem>>, vector<16xi32>,
        %add3A_666 = arith.constant 1 : i32
        %add3A_667 = vector.broadcast %add3A_666 : i32 to vector<16xi32>
        %add3A_668 = arith.addi %shift_right_arithmetic3A_659, %add3A_667 : vector<16xi32>
        %min3A_669 = arith.constant 131071 : i32
        %min3A_670 = vector.broadcast %min3A_669 : i32 to vector<16xi32>
        %min3A_671 = arith.minsi %add3A_668, %min3A_670 : vector<16xi32>
        %swap3A_672 = arith.index_cast %scan3A_39 : i32 to index
        %swap3A_673 = arith.constant 112 : index
        %swap3A_674 = tpu.vector_load %arg9[%swap3A_672, %swap3A_673] {strides = array<i32>} : memref<16x128xi32, #tpu.memory_space<vmem>>, vector<16xi32>,
        tpu.vector_store %arg9[%swap3A_672, %swap3A_673], %min3A_671 {strides = array<i32>} : memref<16x128xi32, #tpu.memory_space<vmem>>, vector<16xi32>,
        %swap3A_675 = arith.index_cast %scan3A_39 : i32 to index
        %swap3A_676 = arith.constant 112 : index
        %swap3A_677 = tpu.vector_load %arg10[%swap3A_675, %swap3A_676] {strides = array<i32>} : memref<16x128xi32, #tpu.memory_space<vmem>>, vector<16xi32>,
        tpu.vector_store %arg10[%swap3A_675, %swap3A_676], %shift_right_arithmetic3A_662 {strides = array<i32>} : memref<16x128xi32, #tpu.memory_space<vmem>>, vector<16xi32>,
        %add3A_678 = arith.constant 1 : i32
        %add3A_679 = vector.broadcast %add3A_678 : i32 to vector<16xi32>
        %add3A_680 = arith.addi %shift_right_arithmetic3A_662, %add3A_679 : vector<16xi32>
        %min3A_681 = arith.constant 131071 : i32
        %min3A_682 = vector.broadcast %min3A_681 : i32 to vector<16xi32>
        %min3A_683 = arith.minsi %add3A_680, %min3A_682 : vector<16xi32>
        %swap3A_684 = arith.index_cast %scan3A_39 : i32 to index
        %swap3A_685 = arith.constant 112 : index
        %swap3A_686 = tpu.vector_load %arg11[%swap3A_684, %swap3A_685] {strides = array<i32>} : memref<16x128xi32, #tpu.memory_space<vmem>>, vector<16xi32>,
        tpu.vector_store %arg11[%swap3A_684, %swap3A_685], %min3A_683 {strides = array<i32>} : memref<16x128xi32, #tpu.memory_space<vmem>>, vector<16xi32>,
        %and3A_687 = arith.constant 7 : i32
        %and3A_688 = vector.broadcast %and3A_687 : i32 to vector<16xi32>
        %and3A_689 = arith.andi %add3A_652, %and3A_688 : vector<16xi32>
        %swap3A_690 = arith.index_cast %add3A_616 : i32 to index
        %swap3A_691 = tpu.vector_load %arg12[%swap3A_690] {strides = array<i32>} : memref<2048xi32, #tpu.memory_space<vmem>>, vector<16xi32>,
        tpu.vector_store %arg12[%swap3A_690], %and3A_689 {strides = array<i32>} : memref<2048xi32, #tpu.memory_space<vmem>>, vector<16xi32>,
        %swap3A_692 = arith.index_cast %add3A_616 : i32 to index
        %swap3A_693 = tpu.vector_load %arg13[%swap3A_692] {strides = array<i32>} : memref<2048xf32, #tpu.memory_space<vmem>>, vector<16xf32>,
        tpu.vector_store %arg13[%swap3A_692], %sub3A_640 {strides = array<i32>} : memref<2048xf32, #tpu.memory_space<vmem>>, vector<16xf32>,
        %swap3A_694 = arith.index_cast %add3A_616 : i32 to index
        %swap3A_695 = tpu.vector_load %arg14[%swap3A_694] {strides = array<i32>} : memref<2048xf32, #tpu.memory_space<vmem>>, vector<16xf32>,
        tpu.vector_store %arg14[%swap3A_694], %sub3A_642 {strides = array<i32>} : memref<2048xf32, #tpu.memory_space<vmem>>, vector<16xf32>,
        %mul3A_696 = arith.constant 128 : i32
        %mul3A_697 = arith.muli %scan3A_39, %mul3A_696 : i32
        %dma_start3A = arith.constant 0 : i32
        %dma_start3A_698 = tpu.memref_slice %arg15[%mul3A_697, %dma_start3A] : memref<2048x8xf32, #tpu.memory_space<vmem>> -> memref<128x8xf32, #tpu.memory_space<vmem>>
        %dma_start3A_699 = arith.constant 0 : i32
        %dma_start3A_700 = tpu.memref_slice %arg8[%scan3A_39, %dma_start3A_699] : memref<16x128xi32, #tpu.memory_space<vmem>> -> memref<1x128xi32, #tpu.memory_space<vmem>>
        %dma_start3A_701 = tpu.memref_squeeze %dma_start3A_700 : memref<1x128xi32, #tpu.memory_space<vmem>> -> memref<128xi32, #tpu.memory_space<vmem>>
        %dma_start3A_702 = arith.constant 0 : i32
        %dma_start3A_703 = arith.constant 0 : i32
        %dma_start3A_704 = tpu.memref_slice %arg3[%dma_start3A_702, %dma_start3A_703] : memref<131072x8xf32, #tpu.memory_space<hbm>> -> memref<131072x8xf32, #tpu.memory_space<hbm>>
        tpu.enqueue_indirect_dma source(%dma_start3A_704 : memref<131072x8xf32, #tpu.memory_space<hbm>>) target(%dma_start3A_698 : memref<128x8xf32, #tpu.memory_space<vmem>>) offsets(%dma_start3A_701 : memref<128xi32, #tpu.memory_space<vmem>>) semaphore(%arg21 : memref<!tpu.dma_semaphore, #tpu.memory_space<semaphore_mem>>)
        %dma_start3A_705 = arith.constant 0 : i32
        %dma_start3A_706 = tpu.memref_slice %arg16[%mul3A_697, %dma_start3A_705] : memref<2048x8xf32, #tpu.memory_space<vmem>> -> memref<128x8xf32, #tpu.memory_space<vmem>>
        %dma_start3A_707 = arith.constant 0 : i32
        %dma_start3A_708 = tpu.memref_slice %arg9[%scan3A_39, %dma_start3A_707] : memref<16x128xi32, #tpu.memory_space<vmem>> -> memref<1x128xi32, #tpu.memory_space<vmem>>
        %dma_start3A_709 = tpu.memref_squeeze %dma_start3A_708 : memref<1x128xi32, #tpu.memory_space<vmem>> -> memref<128xi32, #tpu.memory_space<vmem>>
        %dma_start3A_710 = arith.constant 0 : i32
        %dma_start3A_711 = arith.constant 0 : i32
        %dma_start3A_712 = tpu.memref_slice %arg3[%dma_start3A_710, %dma_start3A_711] : memref<131072x8xf32, #tpu.memory_space<hbm>> -> memref<131072x8xf32, #tpu.memory_space<hbm>>
        tpu.enqueue_indirect_dma source(%dma_start3A_712 : memref<131072x8xf32, #tpu.memory_space<hbm>>) target(%dma_start3A_706 : memref<128x8xf32, #tpu.memory_space<vmem>>) offsets(%dma_start3A_709 : memref<128xi32, #tpu.memory_space<vmem>>) semaphore(%arg21 : memref<!tpu.dma_semaphore, #tpu.memory_space<semaphore_mem>>)
        %dma_start3A_713 = arith.constant 0 : i32
        %dma_start3A_714 = tpu.memref_slice %arg17[%mul3A_697, %dma_start3A_713] : memref<2048x8xf32, #tpu.memory_space<vmem>> -> memref<128x8xf32, #tpu.memory_space<vmem>>
        %dma_start3A_715 = arith.constant 0 : i32
        %dma_start3A_716 = tpu.memref_slice %arg10[%scan3A_39, %dma_start3A_715] : memref<16x128xi32, #tpu.memory_space<vmem>> -> memref<1x128xi32, #tpu.memory_space<vmem>>
        %dma_start3A_717 = tpu.memref_squeeze %dma_start3A_716 : memref<1x128xi32, #tpu.memory_space<vmem>> -> memref<128xi32, #tpu.memory_space<vmem>>
        %dma_start3A_718 = arith.constant 0 : i32
        %dma_start3A_719 = arith.constant 0 : i32
        %dma_start3A_720 = tpu.memref_slice %arg3[%dma_start3A_718, %dma_start3A_719] : memref<131072x8xf32, #tpu.memory_space<hbm>> -> memref<131072x8xf32, #tpu.memory_space<hbm>>
        tpu.enqueue_indirect_dma source(%dma_start3A_720 : memref<131072x8xf32, #tpu.memory_space<hbm>>) target(%dma_start3A_714 : memref<128x8xf32, #tpu.memory_space<vmem>>) offsets(%dma_start3A_717 : memref<128xi32, #tpu.memory_space<vmem>>) semaphore(%arg21 : memref<!tpu.dma_semaphore, #tpu.memory_space<semaphore_mem>>)
        %dma_start3A_721 = arith.constant 0 : i32
        %dma_start3A_722 = tpu.memref_slice %arg18[%mul3A_697, %dma_start3A_721] : memref<2048x8xf32, #tpu.memory_space<vmem>> -> memref<128x8xf32, #tpu.memory_space<vmem>>
        %dma_start3A_723 = arith.constant 0 : i32
        %dma_start3A_724 = tpu.memref_slice %arg11[%scan3A_39, %dma_start3A_723] : memref<16x128xi32, #tpu.memory_space<vmem>> -> memref<1x128xi32, #tpu.memory_space<vmem>>
        %dma_start3A_725 = tpu.memref_squeeze %dma_start3A_724 : memref<1x128xi32, #tpu.memory_space<vmem>> -> memref<128xi32, #tpu.memory_space<vmem>>
        %dma_start3A_726 = arith.constant 0 : i32
        %dma_start3A_727 = arith.constant 0 : i32
        %dma_start3A_728 = tpu.memref_slice %arg3[%dma_start3A_726, %dma_start3A_727] : memref<131072x8xf32, #tpu.memory_space<hbm>> -> memref<131072x8xf32, #tpu.memory_space<hbm>>
        tpu.enqueue_indirect_dma source(%dma_start3A_728 : memref<131072x8xf32, #tpu.memory_space<hbm>>) target(%dma_start3A_722 : memref<128x8xf32, #tpu.memory_space<vmem>>) offsets(%dma_start3A_725 : memref<128xi32, #tpu.memory_space<vmem>>) semaphore(%arg21 : memref<!tpu.dma_semaphore, #tpu.memory_space<semaphore_mem>>)
      }
      %scan3A_26 = arith.constant 16 : i32
      %scan3A_27 = arith.constant 0 : i32
      %scan3A_28 = arith.constant 0 : i32
      %scan3A_29 = arith.constant 16 : i32
      %scan3A_30 = arith.addi %scan3A_28, %scan3A_29 : i32
      %scan3A_31 = arith.constant 1 : i32
      scf.for %scan3A_39 = %scan3A_28 to %scan3A_30 step %scan3A_31  : i32 {
        %mul3A_40 = arith.constant 128 : i32
        %mul3A_41 = arith.muli %scan3A_39, %mul3A_40 : i32
        %dma_wait3A = arith.constant 0 : i32
        %dma_wait3A_42 = tpu.memref_slice %arg15[%mul3A_41, %dma_wait3A] : memref<2048x8xf32, #tpu.memory_space<vmem>> -> memref<128x8xf32, #tpu.memory_space<vmem>>
        %dma_wait3A_43 = arith.constant 0 : i32
        %dma_wait3A_44 = tpu.memref_slice %arg8[%scan3A_39, %dma_wait3A_43] : memref<16x128xi32, #tpu.memory_space<vmem>> -> memref<1x128xi32, #tpu.memory_space<vmem>>
        %dma_wait3A_45 = tpu.memref_squeeze %dma_wait3A_44 : memref<1x128xi32, #tpu.memory_space<vmem>> -> memref<128xi32, #tpu.memory_space<vmem>>
        %dma_wait3A_46 = arith.constant 0 : i32
        %dma_wait3A_47 = arith.constant 0 : i32
        %dma_wait3A_48 = tpu.memref_slice %arg3[%dma_wait3A_46, %dma_wait3A_47] : memref<131072x8xf32, #tpu.memory_space<hbm>> -> memref<131072x8xf32, #tpu.memory_space<hbm>>
        tpu.wait_indirect_dma semaphore(%arg21 : memref<!tpu.dma_semaphore, #tpu.memory_space<semaphore_mem>>) src(%dma_wait3A_48 : memref<131072x8xf32, #tpu.memory_space<hbm>>) dst(%dma_wait3A_42 : memref<128x8xf32, #tpu.memory_space<vmem>>)
        %dma_wait3A_49 = arith.constant 0 : i32
        %dma_wait3A_50 = tpu.memref_slice %arg16[%mul3A_41, %dma_wait3A_49] : memref<2048x8xf32, #tpu.memory_space<vmem>> -> memref<128x8xf32, #tpu.memory_space<vmem>>
        %dma_wait3A_51 = arith.constant 0 : i32
        %dma_wait3A_52 = tpu.memref_slice %arg9[%scan3A_39, %dma_wait3A_51] : memref<16x128xi32, #tpu.memory_space<vmem>> -> memref<1x128xi32, #tpu.memory_space<vmem>>
        %dma_wait3A_53 = tpu.memref_squeeze %dma_wait3A_52 : memref<1x128xi32, #tpu.memory_space<vmem>> -> memref<128xi32, #tpu.memory_space<vmem>>
        %dma_wait3A_54 = arith.constant 0 : i32
        %dma_wait3A_55 = arith.constant 0 : i32
        %dma_wait3A_56 = tpu.memref_slice %arg3[%dma_wait3A_54, %dma_wait3A_55] : memref<131072x8xf32, #tpu.memory_space<hbm>> -> memref<131072x8xf32, #tpu.memory_space<hbm>>
        tpu.wait_indirect_dma semaphore(%arg21 : memref<!tpu.dma_semaphore, #tpu.memory_space<semaphore_mem>>) src(%dma_wait3A_56 : memref<131072x8xf32, #tpu.memory_space<hbm>>) dst(%dma_wait3A_50 : memref<128x8xf32, #tpu.memory_space<vmem>>)
        %dma_wait3A_57 = arith.constant 0 : i32
        %dma_wait3A_58 = tpu.memref_slice %arg17[%mul3A_41, %dma_wait3A_57] : memref<2048x8xf32, #tpu.memory_space<vmem>> -> memref<128x8xf32, #tpu.memory_space<vmem>>
        %dma_wait3A_59 = arith.constant 0 : i32
        %dma_wait3A_60 = tpu.memref_slice %arg10[%scan3A_39, %dma_wait3A_59] : memref<16x128xi32, #tpu.memory_space<vmem>> -> memref<1x128xi32, #tpu.memory_space<vmem>>
        %dma_wait3A_61 = tpu.memref_squeeze %dma_wait3A_60 : memref<1x128xi32, #tpu.memory_space<vmem>> -> memref<128xi32, #tpu.memory_space<vmem>>
        %dma_wait3A_62 = arith.constant 0 : i32
        %dma_wait3A_63 = arith.constant 0 : i32
        %dma_wait3A_64 = tpu.memref_slice %arg3[%dma_wait3A_62, %dma_wait3A_63] : memref<131072x8xf32, #tpu.memory_space<hbm>> -> memref<131072x8xf32, #tpu.memory_space<hbm>>
        tpu.wait_indirect_dma semaphore(%arg21 : memref<!tpu.dma_semaphore, #tpu.memory_space<semaphore_mem>>) src(%dma_wait3A_64 : memref<131072x8xf32, #tpu.memory_space<hbm>>) dst(%dma_wait3A_58 : memref<128x8xf32, #tpu.memory_space<vmem>>)
        %dma_wait3A_65 = arith.constant 0 : i32
        %dma_wait3A_66 = tpu.memref_slice %arg18[%mul3A_41, %dma_wait3A_65] : memref<2048x8xf32, #tpu.memory_space<vmem>> -> memref<128x8xf32, #tpu.memory_space<vmem>>
        %dma_wait3A_67 = arith.constant 0 : i32
        %dma_wait3A_68 = tpu.memref_slice %arg11[%scan3A_39, %dma_wait3A_67] : memref<16x128xi32, #tpu.memory_space<vmem>> -> memref<1x128xi32, #tpu.memory_space<vmem>>
        %dma_wait3A_69 = tpu.memref_squeeze %dma_wait3A_68 : memref<1x128xi32, #tpu.memory_space<vmem>> -> memref<128xi32, #tpu.memory_space<vmem>>
        %dma_wait3A_70 = arith.constant 0 : i32
        %dma_wait3A_71 = arith.constant 0 : i32
        %dma_wait3A_72 = tpu.memref_slice %arg3[%dma_wait3A_70, %dma_wait3A_71] : memref<131072x8xf32, #tpu.memory_space<hbm>> -> memref<131072x8xf32, #tpu.memory_space<hbm>>
        tpu.wait_indirect_dma semaphore(%arg21 : memref<!tpu.dma_semaphore, #tpu.memory_space<semaphore_mem>>) src(%dma_wait3A_72 : memref<131072x8xf32, #tpu.memory_space<hbm>>) dst(%dma_wait3A_66 : memref<128x8xf32, #tpu.memory_space<vmem>>)
      }
      %scan3A_32 = arith.constant 16 : i32
      %scan3A_33 = arith.constant 0 : i32
      %scan3A_34 = arith.constant 0 : i32
      %scan3A_35 = arith.constant 16 : i32
      %scan3A_36 = arith.addi %scan3A_34, %scan3A_35 : i32
      %scan3A_37 = arith.constant 1 : i32
      scf.for %scan3A_39 = %scan3A_34 to %scan3A_36 step %scan3A_37  : i32 {
        %mul3A_40 = arith.constant 128 : i32
        %mul3A_41 = arith.muli %scan3A_39, %mul3A_40 : i32
        %add3A_42 = arith.constant 0 : i32
        %add3A_43 = arith.addi %mul3A_41, %add3A_42 : i32
        %add3A_44 = vector.broadcast %add3A_43 : i32 to vector<16xi32>
        %add3A_45 = arith.addi %add3A_44, %iota3A : vector<16xi32>
        %get3A_46 = arith.index_cast %add3A_43 : i32 to index
        %get3A_47 = tpu.vector_load %arg12[%get3A_46] {strides = array<i32>} : memref<2048xi32, #tpu.memory_space<vmem>>, vector<16xi32>,
        %eq3A = arith.constant 7 : i32
        %eq3A_48 = vector.broadcast %eq3A : i32 to vector<16xi32>
        %eq3A_49 = arith.cmpi eq, %get3A_47, %eq3A_48 : vector<16xi32>
        %add3A_50 = arith.constant 1 : i32
        %add3A_51 = vector.broadcast %add3A_50 : i32 to vector<16xi32>
        %add3A_52 = arith.addi %get3A_47, %add3A_51 : vector<16xi32>
        %and3A = arith.constant 7 : i32
        %and3A_53 = vector.broadcast %and3A : i32 to vector<16xi32>
        %and3A_54 = arith.andi %add3A_52, %and3A_53 : vector<16xi32>
        %gather3A = tpu.vector_load_idx %arg15[%add3A_45, %get3A_47] : memref<2048x8xf32, #tpu.memory_space<vmem>>[vector<16xi32>, vector<16xi32>], vector<16xf32>,
        %gather3A_55 = tpu.vector_load_idx %arg15[%add3A_45, %and3A_54] : memref<2048x8xf32, #tpu.memory_space<vmem>>[vector<16xi32>, vector<16xi32>], vector<16xf32>,
        %gather3A_56 = tpu.vector_load_idx %arg16[%add3A_45, %and3A_54] : memref<2048x8xf32, #tpu.memory_space<vmem>>[vector<16xi32>, vector<16xi32>], vector<16xf32>,
        %gather3A_57 = tpu.vector_load_idx %arg17[%add3A_45, %get3A_47] : memref<2048x8xf32, #tpu.memory_space<vmem>>[vector<16xi32>, vector<16xi32>], vector<16xf32>,
        %gather3A_58 = tpu.vector_load_idx %arg17[%add3A_45, %and3A_54] : memref<2048x8xf32, #tpu.memory_space<vmem>>[vector<16xi32>, vector<16xi32>], vector<16xf32>,
        %gather3A_59 = tpu.vector_load_idx %arg18[%add3A_45, %and3A_54] : memref<2048x8xf32, #tpu.memory_space<vmem>>[vector<16xi32>, vector<16xi32>], vector<16xf32>,
        %select_n3A = arith.select %eq3A_49, %gather3A_56, %gather3A_55 : vector<16xi1>, vector<16xf32>
        %select_n3A_60 = arith.select %eq3A_49, %gather3A_59, %gather3A_58 : vector<16xi1>, vector<16xf32>
        %get3A_61 = arith.index_cast %add3A_43 : i32 to index
        %get3A_62 = tpu.vector_load %arg13[%get3A_61] {strides = array<i32>} : memref<2048xf32, #tpu.memory_space<vmem>>, vector<16xf32>,
        %get3A_63 = arith.index_cast %add3A_43 : i32 to index
        %get3A_64 = tpu.vector_load %arg14[%get3A_63] {strides = array<i32>} : memref<2048xf32, #tpu.memory_space<vmem>>, vector<16xf32>,
        %sub3A = arith.subf %select_n3A, %gather3A : vector<16xf32>
        %mul3A_65 = arith.mulf %get3A_62, %sub3A : vector<16xf32>
        %add3A_66 = arith.addf %gather3A, %mul3A_65 : vector<16xf32>
        %sub3A_67 = arith.subf %select_n3A_60, %gather3A_57 : vector<16xf32>
        %mul3A_68 = arith.mulf %get3A_62, %sub3A_67 : vector<16xf32>
        %add3A_69 = arith.addf %gather3A_57, %mul3A_68 : vector<16xf32>
        %sub3A_70 = arith.subf %add3A_69, %add3A_66 : vector<16xf32>
        %mul3A_71 = arith.mulf %get3A_64, %sub3A_70 : vector<16xf32>
        %add3A_72 = arith.addf %add3A_66, %mul3A_71 : vector<16xf32>
        %swap3A = arith.index_cast %add3A_43 : i32 to index
        %swap3A_73 = tpu.vector_load %arg19[%swap3A] {strides = array<i32>} : memref<2048xf32, #tpu.memory_space<vmem>>, vector<16xf32>,
        tpu.vector_store %arg19[%swap3A], %add3A_72 {strides = array<i32>} : memref<2048xf32, #tpu.memory_space<vmem>>, vector<16xf32>,
        %mul3A_74 = arith.constant 128 : i32
        %mul3A_75 = arith.muli %scan3A_39, %mul3A_74 : i32
        %add3A_76 = arith.constant 16 : i32
        %add3A_77 = arith.addi %mul3A_75, %add3A_76 : i32
        %add3A_78 = vector.broadcast %add3A_77 : i32 to vector<16xi32>
        %add3A_79 = arith.addi %add3A_78, %iota3A : vector<16xi32>
        %get3A_80 = arith.index_cast %add3A_77 : i32 to index
        %get3A_81 = tpu.vector_load %arg12[%get3A_80] {strides = array<i32>} : memref<2048xi32, #tpu.memory_space<vmem>>, vector<16xi32>,
        %eq3A_82 = arith.constant 7 : i32
        %eq3A_83 = vector.broadcast %eq3A_82 : i32 to vector<16xi32>
        %eq3A_84 = arith.cmpi eq, %get3A_81, %eq3A_83 : vector<16xi32>
        %add3A_85 = arith.constant 1 : i32
        %add3A_86 = vector.broadcast %add3A_85 : i32 to vector<16xi32>
        %add3A_87 = arith.addi %get3A_81, %add3A_86 : vector<16xi32>
        %and3A_88 = arith.constant 7 : i32
        %and3A_89 = vector.broadcast %and3A_88 : i32 to vector<16xi32>
        %and3A_90 = arith.andi %add3A_87, %and3A_89 : vector<16xi32>
        %gather3A_91 = tpu.vector_load_idx %arg15[%add3A_79, %get3A_81] : memref<2048x8xf32, #tpu.memory_space<vmem>>[vector<16xi32>, vector<16xi32>], vector<16xf32>,
        %gather3A_92 = tpu.vector_load_idx %arg15[%add3A_79, %and3A_90] : memref<2048x8xf32, #tpu.memory_space<vmem>>[vector<16xi32>, vector<16xi32>], vector<16xf32>,
        %gather3A_93 = tpu.vector_load_idx %arg16[%add3A_79, %and3A_90] : memref<2048x8xf32, #tpu.memory_space<vmem>>[vector<16xi32>, vector<16xi32>], vector<16xf32>,
        %gather3A_94 = tpu.vector_load_idx %arg17[%add3A_79, %get3A_81] : memref<2048x8xf32, #tpu.memory_space<vmem>>[vector<16xi32>, vector<16xi32>], vector<16xf32>,
        %gather3A_95 = tpu.vector_load_idx %arg17[%add3A_79, %and3A_90] : memref<2048x8xf32, #tpu.memory_space<vmem>>[vector<16xi32>, vector<16xi32>], vector<16xf32>,
        %gather3A_96 = tpu.vector_load_idx %arg18[%add3A_79, %and3A_90] : memref<2048x8xf32, #tpu.memory_space<vmem>>[vector<16xi32>, vector<16xi32>], vector<16xf32>,
        %select_n3A_97 = arith.select %eq3A_84, %gather3A_93, %gather3A_92 : vector<16xi1>, vector<16xf32>
        %select_n3A_98 = arith.select %eq3A_84, %gather3A_96, %gather3A_95 : vector<16xi1>, vector<16xf32>
        %get3A_99 = arith.index_cast %add3A_77 : i32 to index
        %get3A_100 = tpu.vector_load %arg13[%get3A_99] {strides = array<i32>} : memref<2048xf32, #tpu.memory_space<vmem>>, vector<16xf32>,
        %get3A_101 = arith.index_cast %add3A_77 : i32 to index
        %get3A_102 = tpu.vector_load %arg14[%get3A_101] {strides = array<i32>} : memref<2048xf32, #tpu.memory_space<vmem>>, vector<16xf32>,
        %sub3A_103 = arith.subf %select_n3A_97, %gather3A_91 : vector<16xf32>
        %mul3A_104 = arith.mulf %get3A_100, %sub3A_103 : vector<16xf32>
        %add3A_105 = arith.addf %gather3A_91, %mul3A_104 : vector<16xf32>
        %sub3A_106 = arith.subf %select_n3A_98, %gather3A_94 : vector<16xf32>
        %mul3A_107 = arith.mulf %get3A_100, %sub3A_106 : vector<16xf32>
        %add3A_108 = arith.addf %gather3A_94, %mul3A_107 : vector<16xf32>
        %sub3A_109 = arith.subf %add3A_108, %add3A_105 : vector<16xf32>
        %mul3A_110 = arith.mulf %get3A_102, %sub3A_109 : vector<16xf32>
        %add3A_111 = arith.addf %add3A_105, %mul3A_110 : vector<16xf32>
        %swap3A_112 = arith.index_cast %add3A_77 : i32 to index
        %swap3A_113 = tpu.vector_load %arg19[%swap3A_112] {strides = array<i32>} : memref<2048xf32, #tpu.memory_space<vmem>>, vector<16xf32>,
        tpu.vector_store %arg19[%swap3A_112], %add3A_111 {strides = array<i32>} : memref<2048xf32, #tpu.memory_space<vmem>>, vector<16xf32>,
        %mul3A_114 = arith.constant 128 : i32
        %mul3A_115 = arith.muli %scan3A_39, %mul3A_114 : i32
        %add3A_116 = arith.constant 32 : i32
        %add3A_117 = arith.addi %mul3A_115, %add3A_116 : i32
        %add3A_118 = vector.broadcast %add3A_117 : i32 to vector<16xi32>
        %add3A_119 = arith.addi %add3A_118, %iota3A : vector<16xi32>
        %get3A_120 = arith.index_cast %add3A_117 : i32 to index
        %get3A_121 = tpu.vector_load %arg12[%get3A_120] {strides = array<i32>} : memref<2048xi32, #tpu.memory_space<vmem>>, vector<16xi32>,
        %eq3A_122 = arith.constant 7 : i32
        %eq3A_123 = vector.broadcast %eq3A_122 : i32 to vector<16xi32>
        %eq3A_124 = arith.cmpi eq, %get3A_121, %eq3A_123 : vector<16xi32>
        %add3A_125 = arith.constant 1 : i32
        %add3A_126 = vector.broadcast %add3A_125 : i32 to vector<16xi32>
        %add3A_127 = arith.addi %get3A_121, %add3A_126 : vector<16xi32>
        %and3A_128 = arith.constant 7 : i32
        %and3A_129 = vector.broadcast %and3A_128 : i32 to vector<16xi32>
        %and3A_130 = arith.andi %add3A_127, %and3A_129 : vector<16xi32>
        %gather3A_131 = tpu.vector_load_idx %arg15[%add3A_119, %get3A_121] : memref<2048x8xf32, #tpu.memory_space<vmem>>[vector<16xi32>, vector<16xi32>], vector<16xf32>,
        %gather3A_132 = tpu.vector_load_idx %arg15[%add3A_119, %and3A_130] : memref<2048x8xf32, #tpu.memory_space<vmem>>[vector<16xi32>, vector<16xi32>], vector<16xf32>,
        %gather3A_133 = tpu.vector_load_idx %arg16[%add3A_119, %and3A_130] : memref<2048x8xf32, #tpu.memory_space<vmem>>[vector<16xi32>, vector<16xi32>], vector<16xf32>,
        %gather3A_134 = tpu.vector_load_idx %arg17[%add3A_119, %get3A_121] : memref<2048x8xf32, #tpu.memory_space<vmem>>[vector<16xi32>, vector<16xi32>], vector<16xf32>,
        %gather3A_135 = tpu.vector_load_idx %arg17[%add3A_119, %and3A_130] : memref<2048x8xf32, #tpu.memory_space<vmem>>[vector<16xi32>, vector<16xi32>], vector<16xf32>,
        %gather3A_136 = tpu.vector_load_idx %arg18[%add3A_119, %and3A_130] : memref<2048x8xf32, #tpu.memory_space<vmem>>[vector<16xi32>, vector<16xi32>], vector<16xf32>,
        %select_n3A_137 = arith.select %eq3A_124, %gather3A_133, %gather3A_132 : vector<16xi1>, vector<16xf32>
        %select_n3A_138 = arith.select %eq3A_124, %gather3A_136, %gather3A_135 : vector<16xi1>, vector<16xf32>
        %get3A_139 = arith.index_cast %add3A_117 : i32 to index
        %get3A_140 = tpu.vector_load %arg13[%get3A_139] {strides = array<i32>} : memref<2048xf32, #tpu.memory_space<vmem>>, vector<16xf32>,
        %get3A_141 = arith.index_cast %add3A_117 : i32 to index
        %get3A_142 = tpu.vector_load %arg14[%get3A_141] {strides = array<i32>} : memref<2048xf32, #tpu.memory_space<vmem>>, vector<16xf32>,
        %sub3A_143 = arith.subf %select_n3A_137, %gather3A_131 : vector<16xf32>
        %mul3A_144 = arith.mulf %get3A_140, %sub3A_143 : vector<16xf32>
        %add3A_145 = arith.addf %gather3A_131, %mul3A_144 : vector<16xf32>
        %sub3A_146 = arith.subf %select_n3A_138, %gather3A_134 : vector<16xf32>
        %mul3A_147 = arith.mulf %get3A_140, %sub3A_146 : vector<16xf32>
        %add3A_148 = arith.addf %gather3A_134, %mul3A_147 : vector<16xf32>
        %sub3A_149 = arith.subf %add3A_148, %add3A_145 : vector<16xf32>
        %mul3A_150 = arith.mulf %get3A_142, %sub3A_149 : vector<16xf32>
        %add3A_151 = arith.addf %add3A_145, %mul3A_150 : vector<16xf32>
        %swap3A_152 = arith.index_cast %add3A_117 : i32 to index
        %swap3A_153 = tpu.vector_load %arg19[%swap3A_152] {strides = array<i32>} : memref<2048xf32, #tpu.memory_space<vmem>>, vector<16xf32>,
        tpu.vector_store %arg19[%swap3A_152], %add3A_151 {strides = array<i32>} : memref<2048xf32, #tpu.memory_space<vmem>>, vector<16xf32>,
        %mul3A_154 = arith.constant 128 : i32
        %mul3A_155 = arith.muli %scan3A_39, %mul3A_154 : i32
        %add3A_156 = arith.constant 48 : i32
        %add3A_157 = arith.addi %mul3A_155, %add3A_156 : i32
        %add3A_158 = vector.broadcast %add3A_157 : i32 to vector<16xi32>
        %add3A_159 = arith.addi %add3A_158, %iota3A : vector<16xi32>
        %get3A_160 = arith.index_cast %add3A_157 : i32 to index
        %get3A_161 = tpu.vector_load %arg12[%get3A_160] {strides = array<i32>} : memref<2048xi32, #tpu.memory_space<vmem>>, vector<16xi32>,
        %eq3A_162 = arith.constant 7 : i32
        %eq3A_163 = vector.broadcast %eq3A_162 : i32 to vector<16xi32>
        %eq3A_164 = arith.cmpi eq, %get3A_161, %eq3A_163 : vector<16xi32>
        %add3A_165 = arith.constant 1 : i32
        %add3A_166 = vector.broadcast %add3A_165 : i32 to vector<16xi32>
        %add3A_167 = arith.addi %get3A_161, %add3A_166 : vector<16xi32>
        %and3A_168 = arith.constant 7 : i32
        %and3A_169 = vector.broadcast %and3A_168 : i32 to vector<16xi32>
        %and3A_170 = arith.andi %add3A_167, %and3A_169 : vector<16xi32>
        %gather3A_171 = tpu.vector_load_idx %arg15[%add3A_159, %get3A_161] : memref<2048x8xf32, #tpu.memory_space<vmem>>[vector<16xi32>, vector<16xi32>], vector<16xf32>,
        %gather3A_172 = tpu.vector_load_idx %arg15[%add3A_159, %and3A_170] : memref<2048x8xf32, #tpu.memory_space<vmem>>[vector<16xi32>, vector<16xi32>], vector<16xf32>,
        %gather3A_173 = tpu.vector_load_idx %arg16[%add3A_159, %and3A_170] : memref<2048x8xf32, #tpu.memory_space<vmem>>[vector<16xi32>, vector<16xi32>], vector<16xf32>,
        %gather3A_174 = tpu.vector_load_idx %arg17[%add3A_159, %get3A_161] : memref<2048x8xf32, #tpu.memory_space<vmem>>[vector<16xi32>, vector<16xi32>], vector<16xf32>,
        %gather3A_175 = tpu.vector_load_idx %arg17[%add3A_159, %and3A_170] : memref<2048x8xf32, #tpu.memory_space<vmem>>[vector<16xi32>, vector<16xi32>], vector<16xf32>,
        %gather3A_176 = tpu.vector_load_idx %arg18[%add3A_159, %and3A_170] : memref<2048x8xf32, #tpu.memory_space<vmem>>[vector<16xi32>, vector<16xi32>], vector<16xf32>,
        %select_n3A_177 = arith.select %eq3A_164, %gather3A_173, %gather3A_172 : vector<16xi1>, vector<16xf32>
        %select_n3A_178 = arith.select %eq3A_164, %gather3A_176, %gather3A_175 : vector<16xi1>, vector<16xf32>
        %get3A_179 = arith.index_cast %add3A_157 : i32 to index
        %get3A_180 = tpu.vector_load %arg13[%get3A_179] {strides = array<i32>} : memref<2048xf32, #tpu.memory_space<vmem>>, vector<16xf32>,
        %get3A_181 = arith.index_cast %add3A_157 : i32 to index
        %get3A_182 = tpu.vector_load %arg14[%get3A_181] {strides = array<i32>} : memref<2048xf32, #tpu.memory_space<vmem>>, vector<16xf32>,
        %sub3A_183 = arith.subf %select_n3A_177, %gather3A_171 : vector<16xf32>
        %mul3A_184 = arith.mulf %get3A_180, %sub3A_183 : vector<16xf32>
        %add3A_185 = arith.addf %gather3A_171, %mul3A_184 : vector<16xf32>
        %sub3A_186 = arith.subf %select_n3A_178, %gather3A_174 : vector<16xf32>
        %mul3A_187 = arith.mulf %get3A_180, %sub3A_186 : vector<16xf32>
        %add3A_188 = arith.addf %gather3A_174, %mul3A_187 : vector<16xf32>
        %sub3A_189 = arith.subf %add3A_188, %add3A_185 : vector<16xf32>
        %mul3A_190 = arith.mulf %get3A_182, %sub3A_189 : vector<16xf32>
        %add3A_191 = arith.addf %add3A_185, %mul3A_190 : vector<16xf32>
        %swap3A_192 = arith.index_cast %add3A_157 : i32 to index
        %swap3A_193 = tpu.vector_load %arg19[%swap3A_192] {strides = array<i32>} : memref<2048xf32, #tpu.memory_space<vmem>>, vector<16xf32>,
        tpu.vector_store %arg19[%swap3A_192], %add3A_191 {strides = array<i32>} : memref<2048xf32, #tpu.memory_space<vmem>>, vector<16xf32>,
        %mul3A_194 = arith.constant 128 : i32
        %mul3A_195 = arith.muli %scan3A_39, %mul3A_194 : i32
        %add3A_196 = arith.constant 64 : i32
        %add3A_197 = arith.addi %mul3A_195, %add3A_196 : i32
        %add3A_198 = vector.broadcast %add3A_197 : i32 to vector<16xi32>
        %add3A_199 = arith.addi %add3A_198, %iota3A : vector<16xi32>
        %get3A_200 = arith.index_cast %add3A_197 : i32 to index
        %get3A_201 = tpu.vector_load %arg12[%get3A_200] {strides = array<i32>} : memref<2048xi32, #tpu.memory_space<vmem>>, vector<16xi32>,
        %eq3A_202 = arith.constant 7 : i32
        %eq3A_203 = vector.broadcast %eq3A_202 : i32 to vector<16xi32>
        %eq3A_204 = arith.cmpi eq, %get3A_201, %eq3A_203 : vector<16xi32>
        %add3A_205 = arith.constant 1 : i32
        %add3A_206 = vector.broadcast %add3A_205 : i32 to vector<16xi32>
        %add3A_207 = arith.addi %get3A_201, %add3A_206 : vector<16xi32>
        %and3A_208 = arith.constant 7 : i32
        %and3A_209 = vector.broadcast %and3A_208 : i32 to vector<16xi32>
        %and3A_210 = arith.andi %add3A_207, %and3A_209 : vector<16xi32>
        %gather3A_211 = tpu.vector_load_idx %arg15[%add3A_199, %get3A_201] : memref<2048x8xf32, #tpu.memory_space<vmem>>[vector<16xi32>, vector<16xi32>], vector<16xf32>,
        %gather3A_212 = tpu.vector_load_idx %arg15[%add3A_199, %and3A_210] : memref<2048x8xf32, #tpu.memory_space<vmem>>[vector<16xi32>, vector<16xi32>], vector<16xf32>,
        %gather3A_213 = tpu.vector_load_idx %arg16[%add3A_199, %and3A_210] : memref<2048x8xf32, #tpu.memory_space<vmem>>[vector<16xi32>, vector<16xi32>], vector<16xf32>,
        %gather3A_214 = tpu.vector_load_idx %arg17[%add3A_199, %get3A_201] : memref<2048x8xf32, #tpu.memory_space<vmem>>[vector<16xi32>, vector<16xi32>], vector<16xf32>,
        %gather3A_215 = tpu.vector_load_idx %arg17[%add3A_199, %and3A_210] : memref<2048x8xf32, #tpu.memory_space<vmem>>[vector<16xi32>, vector<16xi32>], vector<16xf32>,
        %gather3A_216 = tpu.vector_load_idx %arg18[%add3A_199, %and3A_210] : memref<2048x8xf32, #tpu.memory_space<vmem>>[vector<16xi32>, vector<16xi32>], vector<16xf32>,
        %select_n3A_217 = arith.select %eq3A_204, %gather3A_213, %gather3A_212 : vector<16xi1>, vector<16xf32>
        %select_n3A_218 = arith.select %eq3A_204, %gather3A_216, %gather3A_215 : vector<16xi1>, vector<16xf32>
        %get3A_219 = arith.index_cast %add3A_197 : i32 to index
        %get3A_220 = tpu.vector_load %arg13[%get3A_219] {strides = array<i32>} : memref<2048xf32, #tpu.memory_space<vmem>>, vector<16xf32>,
        %get3A_221 = arith.index_cast %add3A_197 : i32 to index
        %get3A_222 = tpu.vector_load %arg14[%get3A_221] {strides = array<i32>} : memref<2048xf32, #tpu.memory_space<vmem>>, vector<16xf32>,
        %sub3A_223 = arith.subf %select_n3A_217, %gather3A_211 : vector<16xf32>
        %mul3A_224 = arith.mulf %get3A_220, %sub3A_223 : vector<16xf32>
        %add3A_225 = arith.addf %gather3A_211, %mul3A_224 : vector<16xf32>
        %sub3A_226 = arith.subf %select_n3A_218, %gather3A_214 : vector<16xf32>
        %mul3A_227 = arith.mulf %get3A_220, %sub3A_226 : vector<16xf32>
        %add3A_228 = arith.addf %gather3A_214, %mul3A_227 : vector<16xf32>
        %sub3A_229 = arith.subf %add3A_228, %add3A_225 : vector<16xf32>
        %mul3A_230 = arith.mulf %get3A_222, %sub3A_229 : vector<16xf32>
        %add3A_231 = arith.addf %add3A_225, %mul3A_230 : vector<16xf32>
        %swap3A_232 = arith.index_cast %add3A_197 : i32 to index
        %swap3A_233 = tpu.vector_load %arg19[%swap3A_232] {strides = array<i32>} : memref<2048xf32, #tpu.memory_space<vmem>>, vector<16xf32>,
        tpu.vector_store %arg19[%swap3A_232], %add3A_231 {strides = array<i32>} : memref<2048xf32, #tpu.memory_space<vmem>>, vector<16xf32>,
        %mul3A_234 = arith.constant 128 : i32
        %mul3A_235 = arith.muli %scan3A_39, %mul3A_234 : i32
        %add3A_236 = arith.constant 80 : i32
        %add3A_237 = arith.addi %mul3A_235, %add3A_236 : i32
        %add3A_238 = vector.broadcast %add3A_237 : i32 to vector<16xi32>
        %add3A_239 = arith.addi %add3A_238, %iota3A : vector<16xi32>
        %get3A_240 = arith.index_cast %add3A_237 : i32 to index
        %get3A_241 = tpu.vector_load %arg12[%get3A_240] {strides = array<i32>} : memref<2048xi32, #tpu.memory_space<vmem>>, vector<16xi32>,
        %eq3A_242 = arith.constant 7 : i32
        %eq3A_243 = vector.broadcast %eq3A_242 : i32 to vector<16xi32>
        %eq3A_244 = arith.cmpi eq, %get3A_241, %eq3A_243 : vector<16xi32>
        %add3A_245 = arith.constant 1 : i32
        %add3A_246 = vector.broadcast %add3A_245 : i32 to vector<16xi32>
        %add3A_247 = arith.addi %get3A_241, %add3A_246 : vector<16xi32>
        %and3A_248 = arith.constant 7 : i32
        %and3A_249 = vector.broadcast %and3A_248 : i32 to vector<16xi32>
        %and3A_250 = arith.andi %add3A_247, %and3A_249 : vector<16xi32>
        %gather3A_251 = tpu.vector_load_idx %arg15[%add3A_239, %get3A_241] : memref<2048x8xf32, #tpu.memory_space<vmem>>[vector<16xi32>, vector<16xi32>], vector<16xf32>,
        %gather3A_252 = tpu.vector_load_idx %arg15[%add3A_239, %and3A_250] : memref<2048x8xf32, #tpu.memory_space<vmem>>[vector<16xi32>, vector<16xi32>], vector<16xf32>,
        %gather3A_253 = tpu.vector_load_idx %arg16[%add3A_239, %and3A_250] : memref<2048x8xf32, #tpu.memory_space<vmem>>[vector<16xi32>, vector<16xi32>], vector<16xf32>,
        %gather3A_254 = tpu.vector_load_idx %arg17[%add3A_239, %get3A_241] : memref<2048x8xf32, #tpu.memory_space<vmem>>[vector<16xi32>, vector<16xi32>], vector<16xf32>,
        %gather3A_255 = tpu.vector_load_idx %arg17[%add3A_239, %and3A_250] : memref<2048x8xf32, #tpu.memory_space<vmem>>[vector<16xi32>, vector<16xi32>], vector<16xf32>,
        %gather3A_256 = tpu.vector_load_idx %arg18[%add3A_239, %and3A_250] : memref<2048x8xf32, #tpu.memory_space<vmem>>[vector<16xi32>, vector<16xi32>], vector<16xf32>,
        %select_n3A_257 = arith.select %eq3A_244, %gather3A_253, %gather3A_252 : vector<16xi1>, vector<16xf32>
        %select_n3A_258 = arith.select %eq3A_244, %gather3A_256, %gather3A_255 : vector<16xi1>, vector<16xf32>
        %get3A_259 = arith.index_cast %add3A_237 : i32 to index
        %get3A_260 = tpu.vector_load %arg13[%get3A_259] {strides = array<i32>} : memref<2048xf32, #tpu.memory_space<vmem>>, vector<16xf32>,
        %get3A_261 = arith.index_cast %add3A_237 : i32 to index
        %get3A_262 = tpu.vector_load %arg14[%get3A_261] {strides = array<i32>} : memref<2048xf32, #tpu.memory_space<vmem>>, vector<16xf32>,
        %sub3A_263 = arith.subf %select_n3A_257, %gather3A_251 : vector<16xf32>
        %mul3A_264 = arith.mulf %get3A_260, %sub3A_263 : vector<16xf32>
        %add3A_265 = arith.addf %gather3A_251, %mul3A_264 : vector<16xf32>
        %sub3A_266 = arith.subf %select_n3A_258, %gather3A_254 : vector<16xf32>
        %mul3A_267 = arith.mulf %get3A_260, %sub3A_266 : vector<16xf32>
        %add3A_268 = arith.addf %gather3A_254, %mul3A_267 : vector<16xf32>
        %sub3A_269 = arith.subf %add3A_268, %add3A_265 : vector<16xf32>
        %mul3A_270 = arith.mulf %get3A_262, %sub3A_269 : vector<16xf32>
        %add3A_271 = arith.addf %add3A_265, %mul3A_270 : vector<16xf32>
        %swap3A_272 = arith.index_cast %add3A_237 : i32 to index
        %swap3A_273 = tpu.vector_load %arg19[%swap3A_272] {strides = array<i32>} : memref<2048xf32, #tpu.memory_space<vmem>>, vector<16xf32>,
        tpu.vector_store %arg19[%swap3A_272], %add3A_271 {strides = array<i32>} : memref<2048xf32, #tpu.memory_space<vmem>>, vector<16xf32>,
        %mul3A_274 = arith.constant 128 : i32
        %mul3A_275 = arith.muli %scan3A_39, %mul3A_274 : i32
        %add3A_276 = arith.constant 96 : i32
        %add3A_277 = arith.addi %mul3A_275, %add3A_276 : i32
        %add3A_278 = vector.broadcast %add3A_277 : i32 to vector<16xi32>
        %add3A_279 = arith.addi %add3A_278, %iota3A : vector<16xi32>
        %get3A_280 = arith.index_cast %add3A_277 : i32 to index
        %get3A_281 = tpu.vector_load %arg12[%get3A_280] {strides = array<i32>} : memref<2048xi32, #tpu.memory_space<vmem>>, vector<16xi32>,
        %eq3A_282 = arith.constant 7 : i32
        %eq3A_283 = vector.broadcast %eq3A_282 : i32 to vector<16xi32>
        %eq3A_284 = arith.cmpi eq, %get3A_281, %eq3A_283 : vector<16xi32>
        %add3A_285 = arith.constant 1 : i32
        %add3A_286 = vector.broadcast %add3A_285 : i32 to vector<16xi32>
        %add3A_287 = arith.addi %get3A_281, %add3A_286 : vector<16xi32>
        %and3A_288 = arith.constant 7 : i32
        %and3A_289 = vector.broadcast %and3A_288 : i32 to vector<16xi32>
        %and3A_290 = arith.andi %add3A_287, %and3A_289 : vector<16xi32>
        %gather3A_291 = tpu.vector_load_idx %arg15[%add3A_279, %get3A_281] : memref<2048x8xf32, #tpu.memory_space<vmem>>[vector<16xi32>, vector<16xi32>], vector<16xf32>,
        %gather3A_292 = tpu.vector_load_idx %arg15[%add3A_279, %and3A_290] : memref<2048x8xf32, #tpu.memory_space<vmem>>[vector<16xi32>, vector<16xi32>], vector<16xf32>,
        %gather3A_293 = tpu.vector_load_idx %arg16[%add3A_279, %and3A_290] : memref<2048x8xf32, #tpu.memory_space<vmem>>[vector<16xi32>, vector<16xi32>], vector<16xf32>,
        %gather3A_294 = tpu.vector_load_idx %arg17[%add3A_279, %get3A_281] : memref<2048x8xf32, #tpu.memory_space<vmem>>[vector<16xi32>, vector<16xi32>], vector<16xf32>,
        %gather3A_295 = tpu.vector_load_idx %arg17[%add3A_279, %and3A_290] : memref<2048x8xf32, #tpu.memory_space<vmem>>[vector<16xi32>, vector<16xi32>], vector<16xf32>,
        %gather3A_296 = tpu.vector_load_idx %arg18[%add3A_279, %and3A_290] : memref<2048x8xf32, #tpu.memory_space<vmem>>[vector<16xi32>, vector<16xi32>], vector<16xf32>,
        %select_n3A_297 = arith.select %eq3A_284, %gather3A_293, %gather3A_292 : vector<16xi1>, vector<16xf32>
        %select_n3A_298 = arith.select %eq3A_284, %gather3A_296, %gather3A_295 : vector<16xi1>, vector<16xf32>
        %get3A_299 = arith.index_cast %add3A_277 : i32 to index
        %get3A_300 = tpu.vector_load %arg13[%get3A_299] {strides = array<i32>} : memref<2048xf32, #tpu.memory_space<vmem>>, vector<16xf32>,
        %get3A_301 = arith.index_cast %add3A_277 : i32 to index
        %get3A_302 = tpu.vector_load %arg14[%get3A_301] {strides = array<i32>} : memref<2048xf32, #tpu.memory_space<vmem>>, vector<16xf32>,
        %sub3A_303 = arith.subf %select_n3A_297, %gather3A_291 : vector<16xf32>
        %mul3A_304 = arith.mulf %get3A_300, %sub3A_303 : vector<16xf32>
        %add3A_305 = arith.addf %gather3A_291, %mul3A_304 : vector<16xf32>
        %sub3A_306 = arith.subf %select_n3A_298, %gather3A_294 : vector<16xf32>
        %mul3A_307 = arith.mulf %get3A_300, %sub3A_306 : vector<16xf32>
        %add3A_308 = arith.addf %gather3A_294, %mul3A_307 : vector<16xf32>
        %sub3A_309 = arith.subf %add3A_308, %add3A_305 : vector<16xf32>
        %mul3A_310 = arith.mulf %get3A_302, %sub3A_309 : vector<16xf32>
        %add3A_311 = arith.addf %add3A_305, %mul3A_310 : vector<16xf32>
        %swap3A_312 = arith.index_cast %add3A_277 : i32 to index
        %swap3A_313 = tpu.vector_load %arg19[%swap3A_312] {strides = array<i32>} : memref<2048xf32, #tpu.memory_space<vmem>>, vector<16xf32>,
        tpu.vector_store %arg19[%swap3A_312], %add3A_311 {strides = array<i32>} : memref<2048xf32, #tpu.memory_space<vmem>>, vector<16xf32>,
        %mul3A_314 = arith.constant 128 : i32
        %mul3A_315 = arith.muli %scan3A_39, %mul3A_314 : i32
        %add3A_316 = arith.constant 112 : i32
        %add3A_317 = arith.addi %mul3A_315, %add3A_316 : i32
        %add3A_318 = vector.broadcast %add3A_317 : i32 to vector<16xi32>
        %add3A_319 = arith.addi %add3A_318, %iota3A : vector<16xi32>
        %get3A_320 = arith.index_cast %add3A_317 : i32 to index
        %get3A_321 = tpu.vector_load %arg12[%get3A_320] {strides = array<i32>} : memref<2048xi32, #tpu.memory_space<vmem>>, vector<16xi32>,
        %eq3A_322 = arith.constant 7 : i32
        %eq3A_323 = vector.broadcast %eq3A_322 : i32 to vector<16xi32>
        %eq3A_324 = arith.cmpi eq, %get3A_321, %eq3A_323 : vector<16xi32>
        %add3A_325 = arith.constant 1 : i32
        %add3A_326 = vector.broadcast %add3A_325 : i32 to vector<16xi32>
        %add3A_327 = arith.addi %get3A_321, %add3A_326 : vector<16xi32>
        %and3A_328 = arith.constant 7 : i32
        %and3A_329 = vector.broadcast %and3A_328 : i32 to vector<16xi32>
        %and3A_330 = arith.andi %add3A_327, %and3A_329 : vector<16xi32>
        %gather3A_331 = tpu.vector_load_idx %arg15[%add3A_319, %get3A_321] : memref<2048x8xf32, #tpu.memory_space<vmem>>[vector<16xi32>, vector<16xi32>], vector<16xf32>,
        %gather3A_332 = tpu.vector_load_idx %arg15[%add3A_319, %and3A_330] : memref<2048x8xf32, #tpu.memory_space<vmem>>[vector<16xi32>, vector<16xi32>], vector<16xf32>,
        %gather3A_333 = tpu.vector_load_idx %arg16[%add3A_319, %and3A_330] : memref<2048x8xf32, #tpu.memory_space<vmem>>[vector<16xi32>, vector<16xi32>], vector<16xf32>,
        %gather3A_334 = tpu.vector_load_idx %arg17[%add3A_319, %get3A_321] : memref<2048x8xf32, #tpu.memory_space<vmem>>[vector<16xi32>, vector<16xi32>], vector<16xf32>,
        %gather3A_335 = tpu.vector_load_idx %arg17[%add3A_319, %and3A_330] : memref<2048x8xf32, #tpu.memory_space<vmem>>[vector<16xi32>, vector<16xi32>], vector<16xf32>,
        %gather3A_336 = tpu.vector_load_idx %arg18[%add3A_319, %and3A_330] : memref<2048x8xf32, #tpu.memory_space<vmem>>[vector<16xi32>, vector<16xi32>], vector<16xf32>,
        %select_n3A_337 = arith.select %eq3A_324, %gather3A_333, %gather3A_332 : vector<16xi1>, vector<16xf32>
        %select_n3A_338 = arith.select %eq3A_324, %gather3A_336, %gather3A_335 : vector<16xi1>, vector<16xf32>
        %get3A_339 = arith.index_cast %add3A_317 : i32 to index
        %get3A_340 = tpu.vector_load %arg13[%get3A_339] {strides = array<i32>} : memref<2048xf32, #tpu.memory_space<vmem>>, vector<16xf32>,
        %get3A_341 = arith.index_cast %add3A_317 : i32 to index
        %get3A_342 = tpu.vector_load %arg14[%get3A_341] {strides = array<i32>} : memref<2048xf32, #tpu.memory_space<vmem>>, vector<16xf32>,
        %sub3A_343 = arith.subf %select_n3A_337, %gather3A_331 : vector<16xf32>
        %mul3A_344 = arith.mulf %get3A_340, %sub3A_343 : vector<16xf32>
        %add3A_345 = arith.addf %gather3A_331, %mul3A_344 : vector<16xf32>
        %sub3A_346 = arith.subf %select_n3A_338, %gather3A_334 : vector<16xf32>
        %mul3A_347 = arith.mulf %get3A_340, %sub3A_346 : vector<16xf32>
        %add3A_348 = arith.addf %gather3A_334, %mul3A_347 : vector<16xf32>
        %sub3A_349 = arith.subf %add3A_348, %add3A_345 : vector<16xf32>
        %mul3A_350 = arith.mulf %get3A_342, %sub3A_349 : vector<16xf32>
        %add3A_351 = arith.addf %add3A_345, %mul3A_350 : vector<16xf32>
        %swap3A_352 = arith.index_cast %add3A_317 : i32 to index
        %swap3A_353 = tpu.vector_load %arg19[%swap3A_352] {strides = array<i32>} : memref<2048xf32, #tpu.memory_space<vmem>>, vector<16xf32>,
        tpu.vector_store %arg19[%swap3A_352], %add3A_351 {strides = array<i32>} : memref<2048xf32, #tpu.memory_space<vmem>>, vector<16xf32>,
      }
      %scan3A_38 = arith.constant 16 : i32
      "tpu.region"() ({
        %run_scoped3A = tpu.sem_alloc : memref<!tpu.dma_semaphore, #tpu.memory_space<semaphore_mem>>
        %dma_start3A = tpu.memref_slice %arg5[%add3A_18] : memref<2097152xf32, #tpu.memory_space<hbm>> -> memref<2048xf32, #tpu.memory_space<hbm>>
        %dma_start3A_39 = tpu.memref_slice %arg5[%add3A_18] : memref<2097152xf32, #tpu.memory_space<hbm>> -> memref<2048xf32, #tpu.memory_space<hbm>>
        tpu.enqueue_dma source(%arg19 : memref<2048xf32, #tpu.memory_space<vmem>>) target(%dma_start3A_39 : memref<2048xf32, #tpu.memory_space<hbm>>) target_semaphore(%run_scoped3A : memref<!tpu.dma_semaphore, #tpu.memory_space<semaphore_mem>>)
        %dma_wait3A = tpu.memref_slice %arg5[%add3A_18] : memref<2097152xf32, #tpu.memory_space<hbm>> -> memref<2048xf32, #tpu.memory_space<hbm>>
        %dma_wait3A_40 = tpu.memref_slice %arg5[%add3A_18] : memref<2097152xf32, #tpu.memory_space<hbm>> -> memref<2048xf32, #tpu.memory_space<hbm>>
        tpu.wait_dma2 semaphore(%run_scoped3A : memref<!tpu.dma_semaphore, #tpu.memory_space<semaphore_mem>>) src(%arg19 : memref<2048xf32, #tpu.memory_space<vmem>>) dst(%dma_wait3A_40 : memref<2048xf32, #tpu.memory_space<hbm>>)
        tpu.yield
      }) : () -> ()
    }
    %scan3A_12 = arith.constant 32 : i32
    return
  }
}

</mosaic_0001>

<sc_bundles>
// kernel: kernel.3.cloned.1.call-start
scs
__scs_entry_jumppad:
0x0: {  	(pc) =	sbr.rel $0x88, $3  }
0x1: {  	(tag) =	ssettag $0x0;
	lr =	simm.s32 $0x1  }
0x2: {  	[smem:$0x3F9D] =	sst lr;
	_ =	strace $0xD0000000  }
0x3: {  	_ = 	snop  }
0x4: {  	_ = 	snop  }
0x5: {  	_ = 	snop  }
0x6: {  	_ = 	snop  }
0x7: {  	_ = 	snop  }
__scs_overlays_trampoline_lowered:
0x8: {  	[smem:$0x3FAC] =	sst s0  }
0x9: {  	[smem:$0x3FAD] =	sst s1  }
0xa: {  	[smem:$0x3FAE] =	sst s2  }
0xb: {  	[smem:$0x3FAF] =	sst s3  }
0xc: {  	[smem:$0x3FB0] =	sst s4  }
0xd: {  	[smem:$0x3FB1] =	sst s5  }
0xe: {  	[smem:$0x3FB2] =	sst s6  }
0xf: {  	[smem:$0x3FB3] =	sst s7  }
0x10: {  	[smem:$0x3FB4] =	sst s8  }
0x11: {  	[smem:$0x3FB5] =	sst s9;
	s0 =	simm.s32 @!p0 $0x0  }
0x12: {  	s1 =	sld [smem:$0x3F9B];
	s0 =	simm.s32 @p0 $0x1  }
0x13: {  	[smem:$0x3FB6] =	sst s0;
	s0 =	simm.s32 @!p1 $0x0  }
0x14: {  	s2 =	sld [smem:$0x3F9A];
	s0 =	simm.s32 @p1 $0x1  }
0x15: {  	[smem:$0x3FB7] =	sst s0;
	s0 =	simm.s32 @!p2 $0x0  }
0x16: {  	s3 =	sld [smem:$0x3FDB];
	s0 =	simm.s32 @p2 $0x1  }
0x17: {  	s4 =	simm.s32 $0x1BF5;
	[smem:$0x3FB9] =	sst s0  }
0x18: {  	s0 =	sld [smem:$0x3F9C];
	_ =	swait.ge [sflag:s4], $0x0  }
0x19: {  	s7 =	sld [smem:$0x3F9D]  }
0x1a: {  	s8 =	sadd.s32 $0xFFFFE003, lr  }
0x1b: {  	s9 =	sadd.s32 $0xFFFFFEF7, lr;
	s5 =	simm.s32 $0xFFFFFFFF;
	p2 =	slt.u32 s8, $0xFFFFF086  }
0x1c: {  	p1 =	slt.u32 s9, $0xF7A;
	s5 =	simm.s32 @!p2 $0x0  }
0x1d: {  	s5 =	simm.s32 @p1 $0x1;
	p0 =	seq.s32 s7, s2  }
0x1e: {  	s7 =	smul.u32 @!p0 $0xF7A, s2;
	p2 =	seq.s32 @!p0 s5, $0x0  }
0x1f: {  	s9 =	smul.u32 $0xF7A, s1;
	s8 =	simm.s32 @!p0 $0x1BF5;
	p2 =	por !p2, p0  }
0x20: {  	[sflag:s8] =	ssyncset.s32 @!p0 $0xFFFFF086;
	s6 =	sadd.s32 @!p0 s3, s7;
	s7 =	simm.s32 @!p0 $0x108  }
0x21: {  	s3 =	sadd.s32 s3, s9;
	s6 =	sadd.s32 @!p0 $0x88, s6;
	s7 =	simm.s32 @p2 $0x1082  }
0x22: {  	[simem:s7], [sflag:s8] =	dma.local @!p0 [hbm:s6], $0xF7A  }
0x23: {  	s9 =	sor.u32 $0xD0000000, s2;
	s6 =	simm.s32 $0x108;
	_ =	swait.ge @!p0 [sflag:s8], $0x0  }
0x24: {  	s3 =	sadd.s32 $0x88, s3;
	s6 =	simm.s32 @!p1 $0x1082;
	[sflag:s4] =	ssyncset.s32 $0xFFFFF086  }
0x25: {  	[simem:s6], [sflag:s4] =	dma.local [hbm:s3], $0xF7A  }
0x26: {  	[smem:$0x3F9D] =	sst s1;
	(tag) =	ssettag s2;
	_ =	strace s9  }
0x27: {  	s1 =	sld [smem:$0x3FAD]  }
0x28: {  	s2 =	sld [smem:$0x3FAE]  }
0x29: {  	s4 =	sld [smem:$0x3FB0]  }
0x2a: {  	p0 =	seq.s32 s5, $0x0;
	s5 =	sld [smem:$0x3FB1]  }
0x2b: {  	s6 =	sld [smem:$0x3FB2]  }
0x2c: {  	s7 =	sld [smem:$0x3FB3]  }
0x2d: {  	s3 =	simm.s32 $0x108;
	s8 =	sld [smem:$0x3FB4]  }
0x2e: {  	s3 =	simm.s32 @!p0 $0x1082;
	s9 =	sld [smem:$0x3FB5]  }
0x2f: {  	lr =	sadd.s32 s0, s3;
	s0 =	sld [smem:$0x3FAC]  }
0x30: {  	s3 =	sld [smem:$0x3FAF]  }
0x31: {  	[smem:$0x3FB8] =	sst s10  }
0x32: {  	s10 =	sld [smem:$0x3FB6];
	_ =	sdelay $0x3  }
0x33: {  	p0 =	seq.s32 s10, $0x1;
	s10 =	sld [smem:$0x3FB8];
	_ =	sdelay $0x3  }
0x34: {  	[smem:$0x3FB8] =	sst s10  }
0x35: {  	s10 =	sld [smem:$0x3FB7];
	_ =	sdelay $0x3  }
0x36: {  	p1 =	seq.s32 s10, $0x1;
	s10 =	sld [smem:$0x3FB8];
	_ =	sdelay $0x3  }
0x37: {  	[smem:$0x3FB8] =	sst s10  }
0x38: {  	s10 =	sld [smem:$0x3FB9]  }
0x39: {  	_ = 	snop;
	(pc) =	sbr.ind lr, $3  }
0x3a: {  	_ = 	snop  }
0x3b: {  	_ = 	snop  }
0x3c: {  	p2 =	seq.s32 s10, $0x1;
	s10 =	sld [smem:$0x3FB8]  }
0x3d: {  	_ =	shalt  }
0x3e: {  	_ =	shalt  }
0x3f: {  	_ =	shalt  }
0x40: {  	_ =	shalt  }
0x41: {  	_ =	shalt  }
0x42: {  	_ =	shalt  }
0x43: {  	_ =	shalt  }
0x44: {  	_ =	shalt  }
0x45: {  	_ =	shalt  }
0x46: {  	_ =	shalt  }
0x47: {  	_ =	shalt  }
0x48: {  	_ =	shalt  }
0x49: {  	_ =	shalt  }
0x4a: {  	_ =	shalt  }
0x4b: {  	_ =	shalt  }
0x4c: {  	_ =	shalt  }
0x4d: {  	_ =	shalt  }
0x4e: {  	_ =	shalt  }
0x4f: {  	_ =	shalt  }
0x50: {  	_ =	shalt  }
0x51: {  	_ =	shalt  }
0x52: {  	_ =	shalt  }
0x53: {  	_ =	shalt  }
0x54: {  	_ =	shalt  }
0x55: {  	_ =	shalt  }
0x56: {  	_ =	shalt  }
0x57: {  	_ =	shalt  }
0x58: {  	_ =	shalt  }
0x59: {  	_ =	shalt  }
0x5a: {  	_ =	shalt  }
0x5b: {  	_ =	shalt  }
0x5c: {  	_ =	shalt  }
0x5d: {  	_ =	shalt  }
0x5e: {  	_ =	shalt  }
0x5f: {  	_ =	shalt  }
0x60: {  	_ =	shalt  }
0x61: {  	_ =	shalt  }
0x62: {  	_ =	shalt  }
0x63: {  	_ =	shalt  }
0x64: {  	_ =	shalt  }
0x65: {  	_ =	shalt  }
0x66: {  	_ =	shalt  }
0x67: {  	_ =	shalt  }
0x68: {  	_ =	shalt  }
0x69: {  	_ =	shalt  }
0x6a: {  	_ =	shalt  }
0x6b: {  	_ =	shalt  }
0x6c: {  	_ =	shalt  }
0x6d: {  	_ =	shalt  }
0x6e: {  	_ =	shalt  }
0x6f: {  	_ =	shalt  }
0x70: {  	_ =	shalt  }
0x71: {  	_ =	shalt  }
0x72: {  	_ =	shalt  }
0x73: {  	_ =	shalt  }
0x74: {  	_ =	shalt  }
0x75: {  	_ =	shalt  }
0x76: {  	_ =	shalt  }
0x77: {  	_ =	shalt  }
0x78: {  	_ =	shalt  }
0x79: {  	_ =	shalt  }
0x7a: {  	_ =	shalt  }
0x7b: {  	_ =	shalt  }
0x7c: {  	_ =	shalt  }
0x7d: {  	_ =	shalt  }
0x7e: {  	_ =	shalt  }
0x7f: {  	_ =	shalt  }
0x80: {  	_ =	shalt  }
0x81: {  	_ =	shalt  }
0x82: {  	_ =	shalt  }
0x83: {  	_ =	shalt  }
0x84: {  	_ =	shalt  }
0x85: {  	_ =	shalt  }
0x86: {  	_ =	shalt  }
0x87: {  	_ =	shalt  }
.Lfunc_end0:
.L_simem_size_0:
called_computation_lowered:
.L_overlay_start_0:
0x88: {  	s2 =	sld [smem:$0x3FD9]  }
0x89: {  	s3 =	sld [smem:$0x3FFE];
	_ =	sdelay $0x1  }
0x8a: {  	s1 =	srdreg.scid  }
0x8b: {  	s0 =	sand.u32 $0x1, s1  }
0x8c: {  	s17 =	sshll.u32 s0, $0xA;
	s2 =	sadd.s32 s3, s2  }
0x8d: {  	s2 =	sadd.s32 s2, s17  }
0x8e: {  	[smem:$0x3FC4] =	sst s2  }
0x8f: {  	_ = 	snop  }
0x90: {  	s2 =	sld [smem:$0x3FD0];
	(tm) =	ssettm $0x1  }
0x91: {  	s18 =	sld [smem:$0x3FFB];
	_ =	sdelay $0x3  }
0x92: {  	_ =	strace s18  }
0x93: {  	s3 =	sld [smem:$0x3FFC];
	_ =	sdelay $0x3  }
0x94: {  	_ =	strace s3  }
0x95: {  	s3 =	sld [smem:$0x3FFD];
	_ =	sdelay $0x3  }
0x96: {  	_ =	strace s3  }
0x97: {  	_ =	strace $0x8FFFFFFF  }
0x98: {  	s19 =	sld [smem:$0x3FDB];
	_ =	sdelay $0x1  }
0x99: {  	s4 =	simm.s32 $_scs_section_size  }
0x9a: {  	s5 =	simm.s32 $_size__tile_overlayer_lowered;
	s6 =	simm.s32 $_tile_overlayer_lowered  }
0x9b: {  	s22 =	simm.s32 $0x1BFF;
	s21 =	sshll.u32 s6, $0x1;
	s3 =	sadd.s32 s4, s19  }
0x9c: {  	s7 =	simm.s32 $0x0;
	s20 =	sshll.u32 s5, $0x1;
	s5 =	sadd.s32 s21, s3  }
0x9d: {  	[timem:s7], [sflag:s22] =	dma.local [hbm:s5], s20  }
0x9e: {  	_ =	swait.ge [sflag:s22], s20  }
0x9f: {  	s4 =	ssub.s32 $0x0, s20;
	[sflag:s22] =	ssyncset.done $0x0  }
0xa0: {  	[sflag:s22] =	ssyncadd.s32 s4;
	_ =	sdelay $0x1  }
0xa1: {  	s23 =	simm.s32 $0x1B8B  }
0xa2: {  	_ =	swait.ge [sflag:s23], $0x1  }
0xa3: {  	[sflag:s23] =	ssyncset.done $0x0  }
0xa4: {  	s25 =	simm.s32 $0x1B8E;
	s24 =	sld [smem:$0x3FFE];
	[sflag:s23] =	ssyncadd.s32 $0xFFFFFFFF  }
0xa5: {  	s26 =	simm.s32 $execute0_lowered;
	[smem:$0x3FD2] =	sst s25  }
0xa6: {  	s5 =	sshll.u32 s26, $0x1;
	_ =	strace $0x80000046;
	[dreg:$0x1] =	wrdreg $0xFFFFFFFF  }
0xa7: {  	s28 =	simm.s32 $_size_execute0_lowered;
	s3 =	sadd.s32 s3, s5;
	[dreg:$0x0] =	wrdreg $0x0  }
0xa8: {  	s5 =	sshll.u32 s28, $0x1;
	[dreg:$0x2] =	wrdreg s3  }
0xa9: {  	[dreg:$0x3] =	wrdreg s5  }
0xaa: {  	[dreg:$0x4] =	wrdreg $0xC0  }
0xab: {  	_ =	task [dreg:s7], $0x5FFFF  }
0xac: {  	[dreg:$0x1] =	wrdreg $0xFFFFFFFF  }
0xad: {  	[dreg:$0x0] =	wrdreg $0x60  }
0xae: {  	[dreg:$0x2] =	wrdreg s24  }
0xaf: {  	[dreg:$0x3] =	wrdreg s2  }
0xb0: {  	[dreg:$0x4] =	wrdreg $0x9  }
0xb1: {  	_ =	task.clear_ibuf [dreg:s7], $0x5FFFF;
	_ =	strace $0x90000046  }
0xb2: {  	s29 =	simm.s32 $0x9;
	_ =	strace $0x80000048  }
0xb3: {  	_ =	swait.ge [sflag:s29], $0x1  }
0xb4: {  	[sflag:s29] =	ssyncadd.s32 $0xFFFFFFFF  }
0xb5: {  	_ =	strace $0x90000048  }
0xb6: {  	_ =	sfence  }
0xb7: {  	s30 =	sld [smem:$0x0];
	_ =	sdelay $0x2  }
0xb8: {  	s31 =	sshll.u32 s1, $0xD;
	s1 =	sshrl.u32 s1, $0x2  }
0xb9: {  	s3 =	sand.u32 $0x4000, s31;
	s1 =	sadd.s32 s1, s30  }
0xba: {  	s0 =	sor.u32 s3, s0;
	s1 =	sshll.u32 s1, $0x11  }
0xbb: {  	s0 =	sor.u32 s1, s0  }
0xbc: {  	s0 =	sadd.s32 $0x8F2B, s0  }
0xbd: {  	[sflag:s0] =	ssyncadd.remote.s32 $0x1  }
0xbe: {  	_ =	sfence.sel $0xFFFF  }
0xbf: {  	[dreg:$0x0] =	wrdreg $0xFFFFFFFF;
	(pc) =	sbr.abs _section_cstart, $3  }
0xc0: {  	[dreg:$0x1] =	wrdreg $0xFFFFFFFF  }
0xc1: {  	_ =	task.clear_ibuf [dreg:s7], $0x2FFFF;
	_ =	strace $0x9FFFFFFF  }
0xc2: {  	(tm) =	ssettm $0x7FFFFFFF  }
0xc3: {  	_ =	shalt  }
tec
execute0_lowered:
.L_overlay_start_1:
0x0: {  	(tag) =	ssettag $0x1  }
0x1: {  	s8 =	rddreg [dreg:$0x0]  }
0x2: {  	s1 =	rddreg [dreg:$0x1]  }
0x3: {  	s0 =	rddreg [dreg:$0x2];
	s2 =	simm.s32 $0x0  }
0x4: {  	s3 =	srdreg.scid;
	s12 =	simm.s32 $0x800;
	s13 =	simm.s32 $0x80  }
0x5: {  	s14 =	simm.s32 $0x1;
	s15 =	simm.s32 $0x4800;
	s16 =	simm.s32 $0x8800  }
0x6: {  	s17 =	simm.s32 $0xC800;
	s18 =	simm.s32 $0x10800;
	s19 =	simm.s32 $0x14800  }
0x7: {  	s20 =	simm.s32 $0x0;
	[smem:$0x7FF] =	sst s2;
	s4 =	sadd.s32 $0x20A00, s8  }
0x8: {  	s5 =	sadd.s32 $0xA00, s8;
	s7 =	sand.u32 $0x1, s3;
	s6 =	sadd.s32 $0x800, s8  }
0x9: {  	s3 =	stileid.u32;
	s8 =	sadd.s32 $0x60A00, s8;
	s9 =	ssub.s32 $0x2, s7  }
0xa: {  	s11 =	sshll.u32 s3, $0xE;
	s7 =	sshll.u32 s7, $0xD;
	s10 =	sshrl.u32 s9, $0x1  }
0xb: {  	v0 =	vlaneseq.u32;
	_ =	strace $0x80000047;
	s7 =	sor.u32 s7, s11;
	s9 =	ssub.s32 s9, s10  }
0xc: {  	v0 =	vmul.u32 $0x8, v0;
	s11 =	simm.s32 $0x2;
	s10 =	simm.s32 $0x15000;
	s9 =	smax.u32 s9, $0x1  }
.LBB2_1:
0xd: {  	[tilespmem:s10], [sflag:$0x2] =	stream.linear.gather [hbm4b:s6+s2], $0x40, $0x38;
	[tilespmem:$0x15040] =	vst v63  }
0xe: {  	_ =	swait.ge [sflag:s11], $0x40  }
0xf: {  	[sflag:s11] =	ssyncset.done $0x0  }
0x10: {  	[sflag:s11] =	ssyncadd.s32 $0xFFFFFFC0  }
0x11: {  	v1 =	vld [tilespmem:$0x15000]  }
0x12: {  	v2 =	vld [tilespmem:$0x15010]  }
0x13: {  	v3 =	vld [tilespmem:$0x15020]  }
0x14: {  	s21 =	simm.s32 $0x0;
	v4 =	vld [tilespmem:$0x15030]  }
.LBB2_2:
0x15: {  	s22 =	sshll.u32 s21, $0x8  }
0x16: {  	s22 =	sadd.s32 s7, s22  }
0x17: {  	s23 =	simm.s32 $0x0;
	s24 =	sadd.s32 s4, s22  }
0x18: {  	[tilespmem:s23], [sflag:$0x2] =	stream.linear.gather [hbm4b:s24+s23], $0x800, $0x38;
	[tilespmem:$0x15040] =	vst v63  }
0x19: {  	_ =	swait.ge [sflag:s11], $0x800  }
0x1a: {  	[sflag:s11] =	ssyncset.done $0x0  }
0x1b: {  	s31 =	sadd.s32 s22, s8;
	[sflag:s11] =	ssyncadd.s32 $0xFFFFF800  }
0x1c: {  	[tilespmem:s12], [sflag:$0x2] =	stream.linear.gather [hbm4b:s31+s23], $0x800, $0x38;
	[tilespmem:$0x15040] =	vst v63  }
0x1d: {  	_ =	swait.ge [sflag:s11], $0x800  }
0x1e: {  	s25 =	simm.s32 $0xC800;
	s26 =	simm.s32 $0x8800;
	[sflag:s11] =	ssyncset.done $0x0  }
0x1f: {  	s28 =	simm.s32 $0x4800;
	s24 =	simm.s32 $0x10800;
	[sflag:s11] =	ssyncadd.s32 $0xFFFFF800  }
.LBB2_3:
0x20: {  	s29 =	sshra.s32 s23, $0x2  }
0x21: {  	v5 =	vld [tilespmem:s29+$0x800]  }
0x22: {  	v6 =	vld [tilespmem:s29+$0x0]  }
0x23: {  	v7 =	vld [tilespmem:s29+$0x810]  }
0x24: {  	v9 =	vld [tilespmem:s29+$0x10]  }
0x25: {  	v15 =	vld [tilespmem:s29+$0x820]  }
0x26: {  	v17 =	vld [tilespmem:s29+$0x20]  }
0x27: {  	v20 =	vld [tilespmem:s29+$0x30]  }
0x28: {  	v27 =	vld [tilespmem:s29+$0x40]  }
0x29: {  	v44 =	vld [tilespmem:s29+$0x850]  }
0x2a: {  	v46 =	vld [tilespmem:s29+$0x50];
	v5 =	vmul.f32 v5, v3;
	v6 =	vmul.f32 v6, v1  }
0x2b: {  	v7 =	vmul.f32 v7, v3;
	v9 =	vmul.f32 v9, v1  }
0x2c: {  	v15 =	vmul.f32 v15, v3;
	v17 =	vmul.f32 v17, v1  }
0x2d: {  	v20 =	vmul.f32 v20, v1;
	v63 =	vmul.f32 v27, v1;
	v5 =	vadd.f32 v5, v4  }
0x2e: {  	v52 =	vmul.f32 v44, v3;
	v6 =	vadd.f32 v6, v2;
	v7 =	vadd.f32 v7, v4  }
0x2f: {  	v54 =	vmul.f32 v46, v1;
	v9 =	vadd.f32 v9, v2;
	v15 =	vadd.f32 v15, v4  }
0x30: {  	v17 =	vadd.f32 v17, v2;
	v20 =	vadd.f32 v20, v2;
	v5 =	vmax.f32 v5, $0.0e+00  }
0x31: {  	v6 =	vmax.f32 v6, $0.0e+00;
	v7 =	vmax.f32 v7, $0.0e+00;
	v9 =	vmax.f32 v9, $0.0e+00  }
0x32: {  	v15 =	vmax.f32 v15, $0.0e+00;
	v17 =	vmax.f32 v17, $0.0e+00;
	v20 =	vmax.f32 v20, $0.0e+00  }
0x33: {  	v5 =	vmin.f32 v5, $1.023000000e+03;
	v6 =	vmin.f32 v6, $1.023000000e+03;
	v7 =	vmin.f32 v7, $1.023000000e+03  }
0x34: {  	v9 =	vmin.f32 v9, $1.023000000e+03;
	v15 =	vmin.f32 v15, $1.023000000e+03;
	v8 =	vtrunc.f32 v5  }
0x35: {  	v17 =	vmin.f32 v17, $1.023000000e+03;
	v10 =	vtrunc.f32 v6;
	v13 =	vtrunc.f32 v7  }
0x36: {  	v20 =	vmin.f32 v20, $1.023000000e+03;
	v14 =	vtrunc.f32 v9;
	v22 =	vtrunc.f32 v15  }
0x37: {  	v23 =	vtrunc.f32 v17;
	v29 =	vtrunc.f32 v20  }
0x38: {  	v8 =	vcvt.f32.s32 v8;
	v10 =	vcvt.f32.s32 v10  }
0x39: {  	v13 =	vcvt.f32.s32 v13;
	v14 =	vcvt.f32.s32 v14  }
0x3a: {  	v22 =	vcvt.f32.s32 v22;
	v23 =	vcvt.f32.s32 v23  }
0x3b: {  	v29 =	vcvt.f32.s32 v29;
	v11 =	vcvt.s32.f32 v8;
	v12 =	vadd.s32 $0x1, v10  }
0x3c: {  	v56 =	vcvt.s32.f32 v10;
	v10 =	vshll.u32 v10, $0xA;
	v18 =	vcvt.s32.f32 v13  }
0x3d: {  	v19 =	vcvt.s32.f32 v14;
	v58 =	vadd.s32 $0x1, v14;
	v14 =	vshll.u32 v14, $0xA  }
0x3e: {  	v25 =	vcvt.s32.f32 v22;
	v26 =	vcvt.s32.f32 v23;
	v60 =	vadd.s32 $0x1, v23  }
0x3f: {  	v23 =	vshll.u32 v23, $0xA;
	v32 =	vcvt.s32.f32 v29;
	v37 =	vadd.s32 $0x1, v29  }
0x40: {  	v59 =	vld [tilespmem:s29+$0x830];
	v41 =	vshll.u32 v29, $0xA;
	v50 =	vand.u32 $0x7, v22;
	vm0 =	vlt.s32 v12, $0x3FF  }
0x41: {  	v10 =	vadd.s32 v8, v10;
	vm7 =	vlt.s32 v58, $0x3FF;
	v14 =	vadd.s32 v13, v14  }
0x42: {  	v61 =	vld [tilespmem:s29+$0x840];
	vm10 =	vlt.s32 v60, $0x3FF;
	v23 =	vadd.s32 v22, v23;
	vm13 =	vlt.s32 v37, $0x3FF  }
0x43: {  	v5 =	vsub.f32 v5, v11;
	v12 =	vnsel vm0, $0x3FF, v12;
	v6 =	vsub.f32 v6, v56  }
0x44: {  	v10 =	vshra.s32 v10, $0x3;
	v7 =	vsub.f32 v7, v18;
	v9 =	vsub.f32 v9, v19  }
0x45: {  	v18 =	vnsel vm7, $0x3FF, v58;
	v14 =	vshra.s32 v14, $0x3;
	v19 =	vmul.f32 v59, v3  }
0x46: {  	v15 =	vsub.f32 v15, v25;
	v17 =	vsub.f32 v17, v26;
	v25 =	vnsel vm10, $0x3FF, v60  }
0x47: {  	v23 =	vshra.s32 v23, $0x3;
	v26 =	vmul.f32 v61, v3;
	v34 =	vsub.f32 v20, v32  }
0x48: {  	v12 =	vshll.u32 v12, $0xA;
	vm5 =	vlt.s32 v10, $0x1FFFE;
	v18 =	vshll.u32 v18, $0xA  }
0x49: {  	vm8 =	vlt.s32 v14, $0x1FFFE;
	v25 =	vshll.u32 v25, $0xA;
	vm11 =	vlt.s32 v23, $0x1FFFE  }
0x4a: {  	v12 =	vadd.s32 v8, v12;
	v16 =	vnsel vm5, $0x1FFFE, v10;
	v8 =	vand.u32 $0x7, v8  }
0x4b: {  	v18 =	vadd.s32 v13, v18;
	v21 =	vnsel vm8, $0x1FFFE, v14;
	v13 =	vand.u32 $0x7, v13  }
0x4c: {  	v19 =	vadd.f32 v19, v4;
	v25 =	vadd.s32 v22, v25;
	v26 =	vadd.f32 v26, v4  }
0x4d: {  	v33 =	vnsel vm11, $0x1FFFE, v23;
	[tilespmem:s29+$0x4000] =	vst v6;
	v6 =	vnsel vm13, $0x3FF, v37;
	v12 =	vshra.s32 v12, $0x3  }
0x4e: {  	v16 =	vadd.s32 $0x1, v16;
	v18 =	vshra.s32 v18, $0x3;
	v21 =	vadd.s32 $0x1, v21  }
0x4f: {  	[tilespmem:s29+$0x3020] =	vst v50;
	v58 =	vld [tilespmem:s29+$0x60];
	v62 =	vshra.s32 v25, $0x3;
	v25 =	vadd.f32 v63, v2;
	v6 =	vshll.u32 v6, $0xA  }
0x50: {  	[tilespmem:s29+$0x3810] =	vst v7;
	v7 =	vadd.s32 $0x1, v33;
	vm6 =	vlt.s32 v12, $0x1FFFE;
	vm9 =	vlt.s32 v18, $0x1FFFE  }
0x51: {  	[tilespmem:s29+$0x1000] =	vst v10;
	v19 =	vmax.f32 v19, $0.0e+00;
	vm12 =	vlt.s32 v62, $0x1FFFE;
	v36 =	vmax.f32 v26, $0.0e+00  }
0x52: {  	v60 =	vld [tilespmem:s29+$0x860];
	[tilespmem:s29+$0x1810] =	vst v21;
	v21 =	vadd.f32 v52, v4;
	v57 =	vnsel vm6, $0x1FFFE, v12;
	v24 =	vnsel vm9, $0x1FFFE, v18  }
0x53: {  	[tilespmem:s29+$0x1010] =	vst v14;
	v19 =	vmin.f32 v19, $1.023000000e+03;
	v35 =	vnsel vm12, $0x1FFFE, v62;
	v20 =	vmin.f32 v36, $1.023000000e+03  }
0x54: {  	[tilespmem:s29+$0x1020] =	vst v23;
	v25 =	vmax.f32 v25, $0.0e+00;
	v22 =	vmul.f32 v58, v1;
	v11 =	vadd.s32 $0x1, v57  }
0x55: {  	[tilespmem:s29+$0x3800] =	vst v5;
	v24 =	vadd.s32 $0x1, v24;
	v28 =	vtrunc.f32 v19;
	v5 =	vmin.f32 v25, $1.023000000e+03  }
0x56: {  	[tilespmem:s29+$0x4010] =	vst v9;
	v38 =	vtrunc.f32 v20;
	v49 =	vadd.s32 $0x1, v35;
	v57 =	vadd.f32 v54, v2  }
0x57: {  	[tilespmem:s29+$0x3820] =	vst v15;
	v59 =	vmax.f32 v21, $0.0e+00;
	v21 =	vmul.f32 v60, v3;
	v28 =	vcvt.f32.s32 v28  }
0x58: {  	[tilespmem:s29+$0x2010] =	vst v18;
	v39 =	vcvt.f32.s32 v38;
	v40 =	vtrunc.f32 v5;
	v18 =	vmin.f32 v59, $1.023000000e+03  }
0x59: {  	[tilespmem:s29+$0x2020] =	vst v62;
	v22 =	vadd.f32 v22, v2;
	v25 =	vcvt.f32.s32 v40;
	v62 =	vtrunc.f32 v18  }
0x5a: {  	[tilespmem:s29+$0x4020] =	vst v17;
	v27 =	vadd.f32 v21, v4;
	v30 =	vcvt.s32.f32 v28;
	v14 =	vadd.s32 v28, v41  }
0x5b: {  	[tilespmem:s29+$0x1820] =	vst v7;
	v6 =	vadd.s32 v28, v6;
	v42 =	vcvt.s32.f32 v39;
	v7 =	vand.u32 $0x7, v28  }
0x5c: {  	[tilespmem:s29+$0x3000] =	vst v8;
	v63 =	vcvt.f32.s32 v62;
	v8 =	vand.u32 $0x7, v39;
	v14 =	vshra.s32 v14, $0x3  }
0x5d: {  	[tilespmem:s29+$0x4030] =	vst v34;
	v6 =	vshra.s32 v6, $0x3;
	v43 =	vcvt.s32.f32 v25;
	v45 =	vadd.s32 $0x1, v25  }
0x5e: {  	[tilespmem:s29+$0x3010] =	vst v13;
	v38 =	vld [tilespmem:s29+$0x70];
	v53 =	vshll.u32 v25, $0xA;
	v31 =	vsub.f32 v19, v30;
	vm14 =	vlt.s32 v14, $0x1FFFE  }
0x5f: {  	[tilespmem:s29+$0x1800] =	vst v16;
	v20 =	vsub.f32 v20, v42;
	vm15 =	vlt.s32 v45, $0x3FF;
	vm4 =	vlt.s32 v6, $0x1FFFE  }
0x60: {  	[tilespmem:s29+$0x2000] =	vst v12;
	v55 =	vadd.s32 v39, v53;
	v25 =	vcvt.s32.f32 v63;
	v30 =	vmax.f32 v22, $0.0e+00  }
0x61: {  	[tilespmem:s29+$0x2800] =	vst v11;
	v5 =	vsub.f32 v5, v43;
	v47 =	vnsel vm14, $0x1FFFE, v14;
	v48 =	vnsel vm15, $0x3FF, v45  }
0x62: {  	[tilespmem:s29+$0x2810] =	vst v24;
	v51 =	vnsel vm4, $0x1FFFE, v6;
	v10 =	vshra.s32 v55, $0x3;
	v32 =	vmin.f32 v30, $1.023000000e+03  }
0x63: {  	[tilespmem:s29+$0x2820] =	vst v49;
	v46 =	vmul.f32 v38, v1;
	v13 =	vadd.s32 $0x1, v47;
	v19 =	vadd.s32 $0x1, v51  }
0x64: {  	[tilespmem:s29+$0x3030] =	vst v7;
	v12 =	vshll.u32 v48, $0xA;
	vm5 =	vlt.s32 v10, $0x1FFFE;
	v7 =	vsub.f32 v18, v25  }
0x65: {  	[tilespmem:s29+$0x3040] =	vst v8;
	v42 =	vld [tilespmem:s29+$0x870];
	v35 =	vtrunc.f32 v32;
	v48 =	vand.u32 $0x7, v63;
	v56 =	vadd.s32 v39, v12  }
0x66: {  	v61 =	vnsel vm5, $0x1FFFE, v10;
	v12 =	vmax.f32 v57, $0.0e+00;
	[tilespmem:s29+$0x1830] =	vst v13;
	v13 =	vmax.f32 v27, $0.0e+00  }
0x67: {  	[tilespmem:s29+$0x1030] =	vst v14;
	v16 =	vadd.f32 v46, v2;
	v9 =	vshra.s32 v56, $0x3;
	v15 =	vadd.s32 $0x1, v61  }
0x68: {  	[tilespmem:s29+$0x2030] =	vst v6;
	v12 =	vmin.f32 v12, $1.023000000e+03;
	v34 =	vmin.f32 v13, $1.023000000e+03;
	v13 =	vcvt.f32.s32 v35  }
0x69: {  	[tilespmem:s29+$0x3830] =	vst v31;
	vm6 =	vlt.s32 v9, $0x1FFFE;
	v23 =	vtrunc.f32 v12;
	v37 =	vtrunc.f32 v34  }
0x6a: {  	[tilespmem:s29+$0x1040] =	vst v10;
	v50 =	vmul.f32 v42, v3;
	v52 =	vmax.f32 v16, $0.0e+00;
	v24 =	vnsel vm6, $0x1FFFE, v9  }
0x6b: {  	[tilespmem:s29+$0x3840] =	vst v20;
	v17 =	vcvt.f32.s32 v23;
	v40 =	vcvt.f32.s32 v37;
	v41 =	vadd.s32 $0x1, v13  }
0x6c: {  	[tilespmem:s29+$0x2830] =	vst v19;
	v49 =	vshll.u32 v13, $0xA;
	v53 =	vmin.f32 v52, $1.023000000e+03;
	v6 =	vadd.s32 $0x1, v24  }
0x6d: {  	[tilespmem:s29+$0x4040] =	vst v5;
	vm9 =	vlt.s32 v41, $0x3FF;
	v51 =	vadd.f32 v50, v4;
	v54 =	vtrunc.f32 v53  }
0x6e: {  	[tilespmem:s29+$0x3050] =	vst v48;
	v26 =	vadd.s32 $0x1, v17;
	v28 =	vcvt.s32.f32 v17;
	v31 =	vshll.u32 v17, $0xA  }
0x6f: {  	[tilespmem:s29+$0x2040] =	vst v9;
	v44 =	vcvt.s32.f32 v40;
	v9 =	vnsel vm9, $0x3FF, v41;
	v62 =	vand.u32 $0x7, v40  }
0x70: {  	[tilespmem:s29+$0x3850] =	vst v7;
	vm7 =	vlt.s32 v26, $0x3FF;
	v33 =	vadd.s32 v63, v31;
	v9 =	vshll.u32 v9, $0xA  }
0x71: {  	[tilespmem:s29+$0x1840] =	vst v15;
	v7 =	vmax.f32 v51, $0.0e+00;
	v29 =	vnsel vm7, $0x3FF, v26;
	v10 =	vshra.s32 v33, $0x3  }
0x72: {  	[tilespmem:s29+$0x2840] =	vst v6;
	v12 =	vsub.f32 v12, v28;
	v5 =	vsub.f32 v34, v44;
	v9 =	vadd.s32 v40, v9  }
0x73: {  	[tilespmem:s29+$0x3060] =	vst v62;
	v7 =	vmin.f32 v7, $1.023000000e+03;
	v36 =	vshll.u32 v29, $0xA;
	vm8 =	vlt.s32 v10, $0x1FFFE  }
0x74: {  	[tilespmem:s29+$0x1050] =	vst v10;
	v9 =	vshra.s32 v9, $0x3;
	v57 =	vtrunc.f32 v7;
	v39 =	vadd.s32 v63, v36  }
0x75: {  	v43 =	vnsel vm8, $0x1FFFE, v10;
	[tilespmem:s29+$0x4050] =	vst v12;
	v10 =	vcvt.f32.s32 v54;
	vm12 =	vlt.s32 v9, $0x1FFFE  }
0x76: {  	v12 =	vcvt.f32.s32 v57;
	[tilespmem:s29+$0x2060] =	vst v9;
	v6 =	vshra.s32 v39, $0x3;
	v8 =	vadd.s32 $0x1, v43  }
0x77: {  	v58 =	vnsel vm12, $0x1FFFE, v9;
	vm10 =	vlt.s32 v6, $0x1FFFE;
	[tilespmem:s29+$0x1850] =	vst v8;
	v8 =	vadd.s32 v40, v49  }
0x78: {  	[tilespmem:s29+$0x3860] =	vst v5;
	v59 =	vadd.s32 $0x1, v10;
	v60 =	vshll.u32 v10, $0xA;
	v45 =	vnsel vm10, $0x1FFFE, v6  }
0x79: {  	[tilespmem:s29+$0x2050] =	vst v6;
	v6 =	vcvt.s32.f32 v13;
	v8 =	vshra.s32 v8, $0x3;
	vm13 =	vlt.s32 v59, $0x3FF  }
0x7a: {  	v9 =	vadd.s32 v12, v60;
	v47 =	vadd.s32 $0x1, v45;
	vm11 =	vlt.s32 v8, $0x1FFFE;
	[tilespmem:s29+$0x1060] =	vst v8  }
0x7b: {  	v61 =	vnsel vm13, $0x3FF, v59;
	[tilespmem:s29+$0x2850] =	vst v47;
	v55 =	vnsel vm11, $0x1FFFE, v8;
	v8 =	vadd.s32 $0x1, v58  }
0x7c: {  	v9 =	vshra.s32 v9, $0x3;
	v6 =	vsub.f32 v32, v6;
	[tilespmem:s29+$0x2860] =	vst v8;
	v8 =	vshll.u32 v61, $0xA  }
0x7d: {  	vm14 =	vlt.s32 v9, $0x1FFFE;
	[tilespmem:s29+$0x1070] =	vst v9;
	v5 =	vadd.s32 v12, v8  }
0x7e: {  	v56 =	vadd.s32 $0x1, v55;
	[tilespmem:s29+$0x4060] =	vst v6;
	v6 =	vnsel vm14, $0x1FFFE, v9;
	v5 =	vshra.s32 v5, $0x3  }
0x7f: {  	[tilespmem:s29+$0x1860] =	vst v56;
	v6 =	vadd.s32 $0x1, v6;
	vm15 =	vlt.s32 v5, $0x1FFFE  }
0x80: {  	[tilespmem:s29+$0x1870] =	vst v6;
	v6 =	vcvt.s32.f32 v12;
	v63 =	vnsel vm15, $0x1FFFE, v5  }
0x81: {  	[tilespmem:s29+$0x2070] =	vst v5;
	v5 =	vcvt.s32.f32 v10;
	v8 =	vadd.s32 $0x1, v63  }
0x82: {  	v6 =	vsub.f32 v7, v6;
	v7 =	vand.u32 $0x7, v12;
	[tilespmem:s29+$0x2870] =	vst v8  }
0x83: {  	v5 =	vsub.f32 v53, v5;
	[tilespmem:s29+$0x3070] =	vst v7  }
0x84: {  	[tilespmem:s29+$0x3870] =	vst v6  }
0x85: {  	s30 =	sadd.s32 $0x1000, s29;
	[tilespmem:s29+$0x4070] =	vst v5  }
0x86: {  	[tilespmem:s28], [sflag:$0x1] =	stream.indirect.gather [hbm4b:s5+s13], $0x8, s30, s13, $0xb8;
	[tilespmem:$0x15040] =	vst v63  }
0x87: {  	p0 =	sne.s32 s23, $0x1E00;
	s31 =	sadd.s32 $0x1800, s29  }
0x88: {  	[tilespmem:s26], [sflag:$0x1] =	stream.indirect.gather [hbm4b:s5+s13], $0x8, s31, s13, $0xb8;
	[tilespmem:$0x15040] =	vst v63  }
.Ltmp0:
0x89: {  	s31 =	sadd.s32 $0x2000, s29;
	(pc) =	sbr.rel @p0 .LBB2_3-.Ltmp0, $4  }
0x8a: {  	[tilespmem:s25], [sflag:$0x1] =	stream.indirect.gather [hbm4b:s5+s13], $0x8, s31, s13, $0xb8;
	[tilespmem:$0x15040] =	vst v63  }
0x8b: {  	s23 =	sadd.s32 $0x200, s23;
	s28 =	sadd.s32 $0x400, s28;
	s29 =	sadd.s32 $0x2800, s29  }
0x8c: {  	[tilespmem:s24], [sflag:$0x1] =	stream.indirect.gather [hbm4b:s5+s13], $0x8, s29, s13, $0xb8;
	[tilespmem:$0x15040] =	vst v63  }
0x8d: {  	s26 =	sadd.s32 $0x400, s26;
	s25 =	sadd.s32 $0x400, s25;
	s24 =	sadd.s32 $0x400, s24  }
0x8e: {  	_ =	swait.ge [sflag:s14], $0x400  }
0x8f: {  	[sflag:s14] =	ssyncset.done $0x0  }
0x90: {  	[sflag:s14] =	ssyncadd.s32 $0xFFFFFC00  }
0x91: {  	_ =	swait.ge [sflag:s14], $0x400  }
0x92: {  	[sflag:s14] =	ssyncset.done $0x0  }
0x93: {  	[sflag:s14] =	ssyncadd.s32 $0xFFFFFC00  }
0x94: {  	_ =	swait.ge [sflag:s14], $0x400  }
0x95: {  	[sflag:s14] =	ssyncset.done $0x0  }
0x96: {  	[sflag:s14] =	ssyncadd.s32 $0xFFFFFC00  }
0x97: {  	_ =	swait.ge [sflag:s14], $0x400  }
0x98: {  	s23 =	simm.s32 $0xF;
	[sflag:s14] =	ssyncset.done $0x0  }
.LBB2_5:
0x99: {  	p0 =	sne.s32 s23, $0x1;
	s23 =	sadd.s32 $0xFFFFFFFF, s23;
	[sflag:s14] =	ssyncadd.s32 $0xFFFFFC00  }
0x9a: {  	_ =	swait.ge [sflag:s14], $0x400  }
0x9b: {  	[sflag:s14] =	ssyncset.done $0x0  }
0x9c: {  	[sflag:s14] =	ssyncadd.s32 $0xFFFFFC00  }
0x9d: {  	_ =	swait.ge [sflag:s14], $0x400  }
0x9e: {  	[sflag:s14] =	ssyncset.done $0x0  }
0x9f: {  	[sflag:s14] =	ssyncadd.s32 $0xFFFFFC00  }
.Ltmp1:
0xa0: {  	_ =	swait.ge [sflag:s14], $0x400;
	(pc) =	sbr.rel @p0 .LBB2_5-.Ltmp1, $4  }
0xa1: {  	[sflag:s14] =	ssyncset.done $0x0  }
0xa2: {  	[sflag:s14] =	ssyncadd.s32 $0xFFFFFC00  }
0xa3: {  	_ =	swait.ge [sflag:s14], $0x400  }
0xa4: {  	[sflag:s14] =	ssyncset.done $0x0  }
0xa5: {  	[sflag:s14] =	ssyncadd.s32 $0xFFFFFC00;
	s23 =	simm.s32 $0x70;
	s24 =	simm.s32 $0x14840  }
0xa6: {  	s25 =	simm.s32 $0x4040;
	s26 =	simm.s32 $0x3840;
	s28 =	simm.s32 $0x3040  }
.LBB2_7:
0xa7: {  	v5 =	vld [tilespmem:s28+$0xFFFFFFC0];
	_ =	sdelay $0x1  }
0xa8: {  	s29 =	sadd.s32 $0xFFFFFF90, s23  }
0xa9: {  	v6 =	vmov s29  }
0xaa: {  	v6 =	vshll.u32 v6, $0x3  }
0xab: {  	v6 =	vor.u32 v0, v6;
	v7 =	vand.u32 $0xFFFFFFF8, v5  }
0xac: {  	v8 =	vadd.s32 $0x1, v5;
	v9 =	vand.u32 $0x7, v5;
	v7 =	vadd.s32 v6, v7  }
0xad: {  	v8 =	vand.u32 $0x7, v8;
	v7 =	vor.u32 v9, v7  }
0xae: {  	v6 =	vor.u32 v6, v8;
	_ =	sdelay $0x3  }
0xaf: {  	v54 =	vld.idx.msk [tilespmem:v7+s15+$0x0], $0xffff  }
0xb0: {  	v55 =	vld.idx.msk [tilespmem:v6+s15+$0x0], $0xffff  }
0xb1: {  	v10 =	vld.idx.msk [tilespmem:v6+s16+$0x0], $0xffff  }
0xb2: {  	v11 =	vld.idx.msk [tilespmem:v6+s17+$0x0], $0xffff  }
0xb3: {  	v6 =	vld.idx.msk [tilespmem:v6+s18+$0x0], $0xffff  }
0xb4: {  	v7 =	vld.idx.msk [tilespmem:v7+s17+$0x0], $0xffff;
	_ =	sdelay $0x1  }
0xb5: {  	v12 =	vld [tilespmem:s26+$0xFFFFFFC0]  }
0xb6: {  	vm0 =	veq.s32 v5, $0x7  }
0xb7: {  	v5 =	vsel vm0, v10, v55;
	v6 =	vsel vm0, v6, v11  }
0xb8: {  	v5 =	vsub.f32 v5, v54;
	v6 =	vsub.f32 v6, v7;
	_ =	sdelay $0x1  }
0xb9: {  	v5 =	vmul.f32 v12, v5;
	v6 =	vmul.f32 v6, v12  }
0xba: {  	v56 =	vld [tilespmem:s25+$0xFFFFFFC0]  }
0xbb: {  	v5 =	vadd.f32 v5, v54;
	v6 =	vadd.f32 v6, v7;
	_ =	sdelay $0x1  }
0xbc: {  	v6 =	vsub.f32 v6, v5;
	_ =	sdelay $0x1  }
0xbd: {  	v6 =	vmul.f32 v6, v56;
	_ =	sdelay $0x1  }
0xbe: {  	v5 =	vadd.f32 v6, v5;
	_ =	sdelay $0x1  }
0xbf: {  	[tilespmem:s24+$0xFFFFFFC0] =	vst v5  }
0xc0: {  	v5 =	vld [tilespmem:s28+$0xFFFFFFD0];
	_ =	sdelay $0x1  }
0xc1: {  	s30 =	sadd.s32 $0xFFFFFFA0, s23  }
0xc2: {  	v6 =	vmov s30  }
0xc3: {  	v6 =	vshll.u32 v6, $0x3  }
0xc4: {  	v6 =	vor.u32 v0, v6;
	v7 =	vand.u32 $0xFFFFFFF8, v5  }
0xc5: {  	v57 =	vadd.s32 $0x1, v5;
	v58 =	vand.u32 $0x7, v5;
	v7 =	vadd.s32 v6, v7  }
0xc6: {  	v8 =	vand.u32 $0x7, v57;
	v7 =	vor.u32 v58, v7  }
0xc7: {  	v6 =	vor.u32 v6, v8;
	_ =	sdelay $0x3  }
0xc8: {  	v59 =	vld.idx.msk [tilespmem:v7+s15+$0x0], $0xffff  }
0xc9: {  	v60 =	vld.idx.msk [tilespmem:v6+s15+$0x0], $0xffff  }
0xca: {  	v61 =	vld.idx.msk [tilespmem:v6+s16+$0x0], $0xffff  }
0xcb: {  	v62 =	vld.idx.msk [tilespmem:v6+s17+$0x0], $0xffff  }
0xcc: {  	v6 =	vld.idx.msk [tilespmem:v6+s18+$0x0], $0xffff  }
0xcd: {  	v7 =	vld.idx.msk [tilespmem:v7+s17+$0x0], $0xffff;
	_ =	sdelay $0x1  }
0xce: {  	v63 =	vld [tilespmem:s26+$0xFFFFFFD0]  }
0xcf: {  	vm9 =	veq.s32 v5, $0x7  }
0xd0: {  	v5 =	vsel vm9, v61, v60;
	v6 =	vsel vm9, v6, v62  }
0xd1: {  	v5 =	vsub.f32 v5, v59;
	v6 =	vsub.f32 v6, v7;
	_ =	sdelay $0x1  }
0xd2: {  	v5 =	vmul.f32 v63, v5;
	v6 =	vmul.f32 v6, v63  }
0xd3: {  	v15 =	vld [tilespmem:s25+$0xFFFFFFD0]  }
0xd4: {  	v5 =	vadd.f32 v5, v59;
	v6 =	vadd.f32 v6, v7;
	_ =	sdelay $0x1  }
0xd5: {  	v6 =	vsub.f32 v6, v5;
	_ =	sdelay $0x1  }
0xd6: {  	v6 =	vmul.f32 v6, v15;
	_ =	sdelay $0x1  }
0xd7: {  	v5 =	vadd.f32 v6, v5;
	_ =	sdelay $0x1  }
0xd8: {  	[tilespmem:s24+$0xFFFFFFD0] =	vst v5  }
0xd9: {  	v5 =	vld [tilespmem:s28+$0xFFFFFFE0];
	_ =	sdelay $0x1  }
0xda: {  	s31 =	sadd.s32 $0xFFFFFFB0, s23  }
0xdb: {  	v6 =	vmov s31  }
0xdc: {  	v6 =	vshll.u32 v6, $0x3  }
0xdd: {  	v6 =	vor.u32 v0, v6;
	v7 =	vand.u32 $0xFFFFFFF8, v5  }
0xde: {  	v16 =	vadd.s32 $0x1, v5;
	v17 =	vand.u32 $0x7, v5;
	v7 =	vadd.s32 v6, v7  }
0xdf: {  	v8 =	vand.u32 $0x7, v16;
	v7 =	vor.u32 v17, v7  }
0xe0: {  	v6 =	vor.u32 v6, v8;
	_ =	sdelay $0x3  }
0xe1: {  	v18 =	vld.idx.msk [tilespmem:v7+s15+$0x0], $0xffff  }
0xe2: {  	v19 =	vld.idx.msk [tilespmem:v6+s15+$0x0], $0xffff  }
0xe3: {  	v20 =	vld.idx.msk [tilespmem:v6+s16+$0x0], $0xffff  }
0xe4: {  	v21 =	vld.idx.msk [tilespmem:v6+s17+$0x0], $0xffff  }
0xe5: {  	v6 =	vld.idx.msk [tilespmem:v6+s18+$0x0], $0xffff  }
0xe6: {  	v7 =	vld.idx.msk [tilespmem:v7+s17+$0x0], $0xffff;
	_ =	sdelay $0x1  }
0xe7: {  	v22 =	vld [tilespmem:s26+$0xFFFFFFE0]  }
0xe8: {  	vm10 =	veq.s32 v5, $0x7  }
0xe9: {  	v5 =	vsel vm10, v20, v19;
	v6 =	vsel vm10, v6, v21  }
0xea: {  	v5 =	vsub.f32 v5, v18;
	v6 =	vsub.f32 v6, v7;
	_ =	sdelay $0x1  }
0xeb: {  	v5 =	vmul.f32 v22, v5;
	v6 =	vmul.f32 v6, v22  }
0xec: {  	v23 =	vld [tilespmem:s25+$0xFFFFFFE0]  }
0xed: {  	v5 =	vadd.f32 v5, v18;
	v6 =	vadd.f32 v6, v7;
	_ =	sdelay $0x1  }
0xee: {  	v6 =	vsub.f32 v6, v5;
	_ =	sdelay $0x1  }
0xef: {  	v6 =	vmul.f32 v6, v23;
	_ =	sdelay $0x1  }
0xf0: {  	v5 =	vadd.f32 v6, v5;
	_ =	sdelay $0x1  }
0xf1: {  	[tilespmem:s24+$0xFFFFFFE0] =	vst v5  }
0xf2: {  	v5 =	vld [tilespmem:s28+$0xFFFFFFF0];
	_ =	sdelay $0x1  }
0xf3: {  	s30 =	sadd.s32 $0xFFFFFFC0, s23  }
0xf4: {  	v6 =	vmov s30  }
0xf5: {  	v6 =	vshll.u32 v6, $0x3  }
0xf6: {  	v6 =	vor.u32 v0, v6;
	v7 =	vand.u32 $0xFFFFFFF8, v5  }
0xf7: {  	v24 =	vadd.s32 $0x1, v5;
	v25 =	vand.u32 $0x7, v5;
	v7 =	vadd.s32 v6, v7  }
0xf8: {  	v8 =	vand.u32 $0x7, v24;
	v7 =	vor.u32 v25, v7  }
0xf9: {  	v6 =	vor.u32 v6, v8;
	_ =	sdelay $0x3  }
0xfa: {  	v26 =	vld.idx.msk [tilespmem:v7+s15+$0x0], $0xffff  }
0xfb: {  	v27 =	vld.idx.msk [tilespmem:v6+s15+$0x0], $0xffff  }
0xfc: {  	v28 =	vld.idx.msk [tilespmem:v6+s16+$0x0], $0xffff  }
0xfd: {  	v29 =	vld.idx.msk [tilespmem:v6+s17+$0x0], $0xffff  }
0xfe: {  	v6 =	vld.idx.msk [tilespmem:v6+s18+$0x0], $0xffff  }
0xff: {  	v7 =	vld.idx.msk [tilespmem:v7+s17+$0x0], $0xffff;
	_ =	sdelay $0x1  }
0x100: {  	v30 =	vld [tilespmem:s26+$0xFFFFFFF0]  }
0x101: {  	vm11 =	veq.s32 v5, $0x7  }
0x102: {  	v5 =	vsel vm11, v28, v27;
	v6 =	vsel vm11, v6, v29  }
0x103: {  	v5 =	vsub.f32 v5, v26;
	v6 =	vsub.f32 v6, v7;
	_ =	sdelay $0x1  }
0x104: {  	v5 =	vmul.f32 v30, v5;
	v6 =	vmul.f32 v6, v30  }
0x105: {  	v31 =	vld [tilespmem:s25+$0xFFFFFFF0]  }
0x106: {  	v5 =	vadd.f32 v5, v26;
	v6 =	vadd.f32 v6, v7;
	_ =	sdelay $0x1  }
0x107: {  	v6 =	vsub.f32 v6, v5;
	_ =	sdelay $0x1  }
0x108: {  	v6 =	vmul.f32 v6, v31;
	_ =	sdelay $0x1  }
0x109: {  	v5 =	vadd.f32 v6, v5;
	_ =	sdelay $0x1  }
0x10a: {  	[tilespmem:s24+$0xFFFFFFF0] =	vst v5  }
0x10b: {  	v5 =	vld [tilespmem:s28+$0x0];
	_ =	sdelay $0x1  }
0x10c: {  	s31 =	sadd.s32 $0xFFFFFFD0, s23  }
0x10d: {  	v6 =	vmov s31  }
0x10e: {  	v6 =	vshll.u32 v6, $0x3  }
0x10f: {  	v6 =	vor.u32 v0, v6;
	v7 =	vand.u32 $0xFFFFFFF8, v5  }
0x110: {  	v32 =	vadd.s32 $0x1, v5;
	v33 =	vand.u32 $0x7, v5;
	v7 =	vadd.s32 v6, v7  }
0x111: {  	v8 =	vand.u32 $0x7, v32;
	v7 =	vor.u32 v33, v7  }
0x112: {  	v6 =	vor.u32 v6, v8;
	_ =	sdelay $0x3  }
0x113: {  	v34 =	vld.idx.msk [tilespmem:v7+s15+$0x0], $0xffff  }
0x114: {  	v35 =	vld.idx.msk [tilespmem:v6+s15+$0x0], $0xffff  }
0x115: {  	v36 =	vld.idx.msk [tilespmem:v6+s16+$0x0], $0xffff  }
0x116: {  	v37 =	vld.idx.msk [tilespmem:v6+s17+$0x0], $0xffff  }
0x117: {  	v6 =	vld.idx.msk [tilespmem:v6+s18+$0x0], $0xffff  }
0x118: {  	v7 =	vld.idx.msk [tilespmem:v7+s17+$0x0], $0xffff;
	_ =	sdelay $0x1  }
0x119: {  	v38 =	vld [tilespmem:s26+$0x0]  }
0x11a: {  	vm12 =	veq.s32 v5, $0x7  }
0x11b: {  	v5 =	vsel vm12, v36, v35;
	v6 =	vsel vm12, v6, v37  }
0x11c: {  	v5 =	vsub.f32 v5, v34;
	v6 =	vsub.f32 v6, v7;
	_ =	sdelay $0x1  }
0x11d: {  	v5 =	vmul.f32 v38, v5;
	v6 =	vmul.f32 v6, v38  }
0x11e: {  	v39 =	vld [tilespmem:s25+$0x0]  }
0x11f: {  	v5 =	vadd.f32 v5, v34;
	v6 =	vadd.f32 v6, v7;
	_ =	sdelay $0x1  }
0x120: {  	v6 =	vsub.f32 v6, v5;
	_ =	sdelay $0x1  }
0x121: {  	v6 =	vmul.f32 v6, v39;
	_ =	sdelay $0x1  }
0x122: {  	v5 =	vadd.f32 v6, v5;
	_ =	sdelay $0x1  }
0x123: {  	[tilespmem:s24+$0x0] =	vst v5  }
0x124: {  	v5 =	vld [tilespmem:s28+$0x10];
	_ =	sdelay $0x1  }
0x125: {  	s30 =	sadd.s32 $0xFFFFFFE0, s23  }
0x126: {  	v6 =	vmov s30  }
0x127: {  	v6 =	vshll.u32 v6, $0x3  }
0x128: {  	v6 =	vor.u32 v0, v6;
	v7 =	vand.u32 $0xFFFFFFF8, v5  }
0x129: {  	v40 =	vadd.s32 $0x1, v5;
	v41 =	vand.u32 $0x7, v5;
	v7 =	vadd.s32 v6, v7  }
0x12a: {  	v8 =	vand.u32 $0x7, v40;
	v7 =	vor.u32 v41, v7  }
0x12b: {  	v6 =	vor.u32 v6, v8;
	_ =	sdelay $0x3  }
0x12c: {  	v42 =	vld.idx.msk [tilespmem:v7+s15+$0x0], $0xffff  }
0x12d: {  	v43 =	vld.idx.msk [tilespmem:v6+s15+$0x0], $0xffff  }
0x12e: {  	v44 =	vld.idx.msk [tilespmem:v6+s16+$0x0], $0xffff  }
0x12f: {  	v45 =	vld.idx.msk [tilespmem:v6+s17+$0x0], $0xffff  }
0x130: {  	v6 =	vld.idx.msk [tilespmem:v6+s18+$0x0], $0xffff  }
0x131: {  	v7 =	vld.idx.msk [tilespmem:v7+s17+$0x0], $0xffff;
	_ =	sdelay $0x1  }
0x132: {  	v46 =	vld [tilespmem:s26+$0x10]  }
0x133: {  	vm13 =	veq.s32 v5, $0x7  }
0x134: {  	v5 =	vsel vm13, v44, v43;
	v6 =	vsel vm13, v6, v45  }
0x135: {  	v5 =	vsub.f32 v5, v42;
	v6 =	vsub.f32 v6, v7;
	_ =	sdelay $0x1  }
0x136: {  	v5 =	vmul.f32 v46, v5;
	v6 =	vmul.f32 v6, v46  }
0x137: {  	v47 =	vld [tilespmem:s25+$0x10]  }
0x138: {  	v5 =	vadd.f32 v5, v42;
	v6 =	vadd.f32 v6, v7;
	_ =	sdelay $0x1  }
0x139: {  	v6 =	vsub.f32 v6, v5;
	_ =	sdelay $0x1  }
0x13a: {  	v6 =	vmul.f32 v6, v47;
	_ =	sdelay $0x1  }
0x13b: {  	v5 =	vadd.f32 v6, v5;
	_ =	sdelay $0x1  }
0x13c: {  	[tilespmem:s24+$0x10] =	vst v5  }
0x13d: {  	v5 =	vld [tilespmem:s28+$0x20];
	_ =	sdelay $0x1  }
0x13e: {  	s31 =	sadd.s32 $0xFFFFFFF0, s23  }
0x13f: {  	v6 =	vmov s31  }
0x140: {  	v6 =	vshll.u32 v6, $0x3  }
0x141: {  	v6 =	vor.u32 v0, v6;
	v7 =	vand.u32 $0xFFFFFFF8, v5  }
0x142: {  	v48 =	vadd.s32 $0x1, v5;
	v49 =	vand.u32 $0x7, v5;
	v7 =	vadd.s32 v6, v7  }
0x143: {  	v8 =	vand.u32 $0x7, v48;
	v7 =	vor.u32 v49, v7  }
0x144: {  	v6 =	vor.u32 v6, v8;
	_ =	sdelay $0x3  }
0x145: {  	v50 =	vld.idx.msk [tilespmem:v7+s15+$0x0], $0xffff  }
0x146: {  	v51 =	vld.idx.msk [tilespmem:v6+s15+$0x0], $0xffff  }
0x147: {  	v52 =	vld.idx.msk [tilespmem:v6+s16+$0x0], $0xffff  }
0x148: {  	v53 =	vld.idx.msk [tilespmem:v6+s17+$0x0], $0xffff  }
0x149: {  	v6 =	vld.idx.msk [tilespmem:v6+s18+$0x0], $0xffff  }
0x14a: {  	v7 =	vld.idx.msk [tilespmem:v7+s17+$0x0], $0xffff;
	_ =	sdelay $0x1  }
0x14b: {  	v54 =	vld [tilespmem:s26+$0x20]  }
0x14c: {  	vm14 =	veq.s32 v5, $0x7  }
0x14d: {  	v5 =	vsel vm14, v52, v51;
	v6 =	vsel vm14, v6, v53  }
0x14e: {  	v5 =	vsub.f32 v5, v50;
	v6 =	vsub.f32 v6, v7;
	_ =	sdelay $0x1  }
0x14f: {  	v5 =	vmul.f32 v54, v5;
	v6 =	vmul.f32 v6, v54  }
0x150: {  	v55 =	vld [tilespmem:s25+$0x20]  }
0x151: {  	v5 =	vadd.f32 v5, v50;
	v6 =	vadd.f32 v6, v7;
	_ =	sdelay $0x1  }
0x152: {  	v6 =	vsub.f32 v6, v5;
	_ =	sdelay $0x1  }
0x153: {  	v6 =	vmul.f32 v6, v55;
	_ =	sdelay $0x1  }
0x154: {  	v5 =	vadd.f32 v6, v5;
	_ =	sdelay $0x1  }
0x155: {  	[tilespmem:s24+$0x20] =	vst v5  }
0x156: {  	v5 =	vld [tilespmem:s28+$0x30];
	_ =	sdelay $0x2  }
0x157: {  	v6 =	vmov s23  }
0x158: {  	v6 =	vshll.u32 v6, $0x3  }
0x159: {  	v6 =	vor.u32 v0, v6;
	v7 =	vand.u32 $0xFFFFFFF8, v5  }
0x15a: {  	v56 =	vadd.s32 $0x1, v5;
	v57 =	vand.u32 $0x7, v5;
	v7 =	vadd.s32 v6, v7  }
0x15b: {  	v8 =	vand.u32 $0x7, v56;
	v7 =	vor.u32 v57, v7  }
0x15c: {  	v6 =	vor.u32 v6, v8;
	_ =	sdelay $0x3  }
0x15d: {  	v58 =	vld.idx.msk [tilespmem:v7+s15+$0x0], $0xffff  }
0x15e: {  	v59 =	vld.idx.msk [tilespmem:v6+s15+$0x0], $0xffff  }
0x15f: {  	v60 =	vld.idx.msk [tilespmem:v6+s16+$0x0], $0xffff  }
0x160: {  	v61 =	vld.idx.msk [tilespmem:v6+s17+$0x0], $0xffff  }
0x161: {  	v6 =	vld.idx.msk [tilespmem:v6+s18+$0x0], $0xffff  }
0x162: {  	v7 =	vld.idx.msk [tilespmem:v7+s17+$0x0], $0xffff;
	_ =	sdelay $0x1  }
0x163: {  	v62 =	vld [tilespmem:s26+$0x30]  }
0x164: {  	vm15 =	veq.s32 v5, $0x7  }
0x165: {  	v5 =	vsel vm15, v60, v59;
	v6 =	vsel vm15, v6, v61  }
0x166: {  	v5 =	vsub.f32 v5, v58;
	v6 =	vsub.f32 v6, v7;
	_ =	sdelay $0x1  }
0x167: {  	v5 =	vmul.f32 v62, v5;
	v6 =	vmul.f32 v6, v62  }
0x168: {  	v63 =	vld [tilespmem:s25+$0x30]  }
0x169: {  	v5 =	vadd.f32 v5, v58;
	v6 =	vadd.f32 v6, v7;
	_ =	sdelay $0x1  }
0x16a: {  	v6 =	vsub.f32 v6, v5  }
0x16b: {  	p0 =	sne.s32 s23, $0x7F0  }
.Ltmp2:
0x16c: {  	v6 =	vmul.f32 v6, v63;
	(pc) =	sbr.rel @p0 .LBB2_7-.Ltmp2, $4  }
0x16d: {  	_ = 	snop  }
0x16e: {  	v5 =	vadd.f32 v6, v5  }
0x16f: {  	s23 =	sadd.s32 $0x80, s23;
	s25 =	sadd.s32 $0x80, s25  }
0x170: {  	s26 =	sadd.s32 $0x80, s26;
	s28 =	sadd.s32 $0x80, s28;
	[tilespmem:s24+$0x30] =	vst v5;
	s24 =	sadd.s32 $0x80, s24  }
0x171: {  	s21 =	sadd.s32 $0x1, s21  }
0x172: {  	p0 =	sne.s32 s21, $0x20  }
.Ltmp3:
0x173: {  	s22 =	sadd.s32 s1, s22;
	(pc) =	sbr.rel @p0 .LBB2_2-.Ltmp3, $4  }
0x174: {  	[hbm4b:s22+s2] =	stream.linear.scatter [tilespmem:s19], [sflag:$0x2], $0x800, $0x38;
	[tilespmem:$0x15040] =	vst v63  }
0x175: {  	_ =	swait.ge [sflag:s11], $0x800  }
0x176: {  	[sflag:s11] =	ssyncset.done $0x0  }
0x177: {  	[sflag:s11] =	ssyncadd.s32 $0xFFFFF800  }
0x178: {  	s20 =	sadd.s32 $0x1, s20  }
0x179: {  	p0 =	sne.s32 s20, s9  }
.Ltmp4:
0x17a: {  	_ = 	snop;
	(pc) =	sbr.rel @p0 .LBB2_1-.Ltmp4, $1  }
0x17b: {  	_ =	sdelay $0x3  }
0x17c: {  	_ =	sfence.sel $0x180000  }
0x17d: {  	[bflag:$0x0] =	sbarrier.arrive $0xFFFF  }
0x17e: {  	p0 =	sne.s32 s3, $0x0;
	_ =	strace $0x90000047  }
0x17f: {  	s0 =	sadd.s32 @!p0 $0x100000, s0;
	[bflag:$0x2] =	sbarrier.arrive $0xFFFF  }
0x180: {  	[sflag:s0] =	ssyncadd.tile.s32 @!p0 $0x1;
	_ =	shalt  }
.Lfunc_end2:
_tile_overlayer_lowered:
.L_overlay_start_2:
0x181: {  	(tag) =	ssettag $0x2  }
0x182: {  	s0 =	rddreg [dreg:$0x0];
	s2 =	stileid.u32  }
0x183: {  	s1 =	rddreg [dreg:$0x1];
	p0 =	sne.s32 s2, $0x0  }
0x184: {  	s3 =	rddreg [dreg:$0x2];
	[bflag:$0x3] =	sbarrier.arrive $0xFFFF;
	s2 =	simm.s32 @!p0 $0x1C02  }
0x185: {  	[timem:s3], [sflag:s2] =	dma.local @!p0 [hbm:s0], s1  }
0x186: {  	s0 =	simm.s32 @!p0 $0x2  }
0x187: {  	_ =	swait.ge @!p0 [sflag:s0], s1  }
0x188: {  	s1 =	ssub.s32 @!p0 $0x0, s1;
	[sflag:s0] =	ssyncset.done @!p0 $0x0  }
0x189: {  	[sflag:s0] =	ssyncadd.s32 @!p0 s1  }
0x18a: {  	[bflag:$0x3] =	sbarrier.arrive $0xFFFF  }
0x18b: {  	_ =	shalt  }

</sc_bundles>
